<compile_context>
chip_gen: v7x
topology: tpu7x:2x2x1
jax: 0.10.2.dev20260603
libtpu: 0.0.44.dev20260713+nightly
codegen_flags: <defaults>
</compile_context>

<pallas_src>
import functools

import jax
import jax.numpy as jnp
from jax import lax
from jax.experimental import pallas as pl
from jax.experimental.pallas import tpu as pltpu
from jax.experimental.pallas import tpu_sc as plsc

EMB = 64
NC, NS = 2, 16
NW = NC * NS

K = 128
CHUNKS = 4
BLOCK = K * CHUNKS


@functools.lru_cache(maxsize=None)
def _make_kernel(B, V):
    xrows_per_blk = BLOCK // K
    nblk = B // (BLOCK * NW)
    assert nblk * BLOCK * NW == B and nblk % 4 == 0

    mesh = plsc.VectorSubcoreMesh(core_axis_name="c", subcore_axis_name="s")

    @functools.partial(
        pl.kernel,
        mesh=mesh,
        out_type=jax.ShapeDtypeStruct((B, EMB), jnp.float32),
        compiler_params=pltpu.CompilerParams(use_tc_tiling_on_sc=False),
        scratch_types=[
            pltpu.VMEM((4, CHUNKS, K), jnp.int32),
            pltpu.VMEM((2, BLOCK, EMB), jnp.float32),
            pltpu.SemaphoreType.DMA,
            pltpu.SemaphoreType.DMA,
            pltpu.SemaphoreType.DMA,
            pltpu.SemaphoreType.DMA,
            pltpu.SemaphoreType.DMA,
            pltpu.SemaphoreType.DMA,
            pltpu.SemaphoreType.DMA,
            pltpu.SemaphoreType.DMA,
        ],
    )
    def k(x_hbm, table_hbm, out_hbm, idx_v, rows_v,
          g0, g1, o0, o1, i0, i1, i2, i3):
        c = lax.axis_index("c")
        s = lax.axis_index("s")
        wid = s * NC + c
        xrow0 = wid * nblk * xrows_per_blk
        row0 = wid * nblk * BLOCK
        gsem = (g0, g1)
        osem = (o0, o1)
        isem = (i0, i1, i2, i3)

        def idx_copy(islot, blk):
            off = xrow0 + blk * xrows_per_blk
            return pltpu.make_async_copy(
                x_hbm.at[pl.ds(off, xrows_per_blk)], idx_v.at[islot],
                isem[islot])

        def gather_copy(islot, slot, j):
            return pltpu.make_async_copy(
                table_hbm.at[idx_v.at[islot, j]],
                rows_v.at[slot, pl.ds(j * K, K)],
                gsem[slot])

        def out_copy(slot, blk):
            off = row0 + blk * BLOCK
            return pltpu.make_async_copy(
                rows_v.at[slot], out_hbm.at[pl.ds(off, BLOCK)], osem[slot])

        def fire_gathers(blk_slot4, blk_slot2):
            for j in range(CHUNKS):
                gather_copy(blk_slot4, blk_slot2, j).start()

        idx_copy(0, 0).start()
        idx_copy(1, 1).start()
        idx_copy(0, 0).wait()
        fire_gathers(0, 0)

        def body(it, carry):
            for p in range(4):
                g = it * 4 + p
                slot = p % 2
                islot = p

                @pl.when(g + 2 < nblk)
                def _():
                    idx_copy((p + 2) % 4, g + 2).start()

                for j in range(CHUNKS):
                    gather_copy(islot, slot, j).wait()
                out_copy(slot, g).start()

                @pl.when(g + 1 < nblk)
                def _():
                    @pl.when(g > 0)
                    def _():
                        out_copy(1 - slot, g - 1).wait()
                    idx_copy((p + 1) % 4, g + 1).wait()
                    fire_gathers((p + 1) % 4, 1 - slot)
            return carry

        lax.fori_loop(0, nblk // 4, body, 0)

        out_copy(0, nblk - 2).wait()
        out_copy(1, nblk - 1).wait()

    return k


def kernel(x, atom_emb_weight):
    B = x.shape[0] * x.shape[1]
    x2 = x.reshape(B // K, K).astype(jnp.int32)
    out = _make_kernel(B, atom_emb_weight.shape[0])(x2, atom_emb_weight)
    return out.reshape(x.shape + (EMB,))

# --- scband reference (transcript-rebuilt; emitter-appended) ---
"""Pipeline reference for scband-atom-embedding-18262200943312 (READ-ONLY COPY).

The authoritative reference and input builder live on the scoring server;
editing this copy changes nothing except your own understanding.
"""

import jax, jax.numpy as jnp
import numpy as np

NUM_ATOM_TYPES = 100000
EMB_SIZE = 64

def setup_inputs(seed: int = 0) -> dict:
    key = jax.random.key(seed)
    k1, k2 = jax.random.split(key)
    x = jax.random.randint(k1, (16384, 200), 0, NUM_ATOM_TYPES, dtype=jnp.int64 if jax.config.jax_enable_x64 else jnp.int32)
    # nn.Embedding default init: N(0, 1)
    atom_emb_weight = jax.random.normal(k2, (NUM_ATOM_TYPES, EMB_SIZE), dtype=jnp.float32)
    return {"x": x, "atom_emb_weight": atom_emb_weight}

def reference(x, atom_emb_weight):
    # Faithful translation of AtomEmbedding.forward: nn.Embedding lookup
    return jnp.take(atom_emb_weight, x, axis=0)

if __name__ == "__main__":
    import jax
    _d = setup_inputs()
    print(jax.jit(kernel)(*tuple(_d.values())))

</pallas_src>

<mosaic_0001>
#map = affine_map<(d0, d1) -> (0, 0)>
module attributes {stable_mosaic.version = 14 : i64} {
  func.func @k(%arg0: i32, %arg1: i32, %arg2: memref<25600x128xi32, #tpu.memory_space<hbm>>, %arg3: memref<100000x64xf32, #tpu.memory_space<hbm>>, %arg4: memref<3276800x64xf32, #tpu.memory_space<hbm>>, %arg5: memref<4x4x128xi32, #tpu.memory_space<vmem>>, %arg6: memref<2x512x64xf32, #tpu.memory_space<vmem>>, %arg7: memref<!tpu.dma_semaphore, #tpu.memory_space<semaphore_mem>>, %arg8: memref<!tpu.dma_semaphore, #tpu.memory_space<semaphore_mem>>, %arg9: memref<!tpu.dma_semaphore, #tpu.memory_space<semaphore_mem>>, %arg10: memref<!tpu.dma_semaphore, #tpu.memory_space<semaphore_mem>>, %arg11: memref<!tpu.dma_semaphore, #tpu.memory_space<semaphore_mem>>, %arg12: memref<!tpu.dma_semaphore, #tpu.memory_space<semaphore_mem>>, %arg13: memref<!tpu.dma_semaphore, #tpu.memory_space<semaphore_mem>>, %arg14: memref<!tpu.dma_semaphore, #tpu.memory_space<semaphore_mem>>) attributes {dimension_semantics = [#tpu.dimension_semantics<core_parallel>, #tpu.dimension_semantics<subcore_parallel>], iteration_bounds = array<i64: 2, 16>, scalar_prefetch = 0 : i64, scratch_operands = 10 : i64, tpu.core_type = #tpu.core_type<sc_vector_subcore>, window_params = [{transform_indices = #map}, {transform_indices = #map}, {transform_indices = #map}]} {
    %mul3A = arith.constant 2 : i32
    %mul3A_0 = arith.muli %arg1, %mul3A : i32
    %add3A = arith.addi %mul3A_0, %arg0 : i32
    %mul3A_1 = arith.constant 200 : i32
    %mul3A_2 = arith.muli %add3A, %mul3A_1 : i32
    %mul3A_3 = arith.constant 4 : i32
    %mul3A_4 = arith.muli %mul3A_2, %mul3A_3 : i32
    %mul3A_5 = arith.constant 200 : i32
    %mul3A_6 = arith.muli %add3A, %mul3A_5 : i32
    %mul3A_7 = arith.constant 512 : i32
    %mul3A_8 = arith.muli %mul3A_6, %mul3A_7 : i32
    %add3A_9 = arith.constant 0 : i32
    %add3A_10 = arith.addi %mul3A_4, %add3A_9 : i32
    %dma_start3A = arith.constant 0 : i32
    %dma_start3A_11 = arith.constant 0 : i32
    %dma_start3A_12 = arith.constant 0 : i32
    %dma_start3A_13 = tpu.memref_slice %arg5[%dma_start3A, %dma_start3A_11, %dma_start3A_12] : memref<4x4x128xi32, #tpu.memory_space<vmem>> -> memref<1x4x128xi32, #tpu.memory_space<vmem>>
    %dma_start3A_14 = tpu.memref_squeeze %dma_start3A_13 : memref<1x4x128xi32, #tpu.memory_space<vmem>> -> memref<4x128xi32, #tpu.memory_space<vmem>>
    %dma_start3A_15 = arith.constant 0 : i32
    %dma_start3A_16 = tpu.memref_slice %arg2[%add3A_10, %dma_start3A_15] : memref<25600x128xi32, #tpu.memory_space<hbm>> -> memref<4x128xi32, #tpu.memory_space<hbm>>
    %dma_start3A_17 = arith.constant 0 : i32
    %dma_start3A_18 = arith.constant 0 : i32
    %dma_start3A_19 = tpu.memref_slice %arg5[%dma_start3A, %dma_start3A_17, %dma_start3A_18] : memref<4x4x128xi32, #tpu.memory_space<vmem>> -> memref<1x4x128xi32, #tpu.memory_space<vmem>>
    %dma_start3A_20 = tpu.memref_squeeze %dma_start3A_19 : memref<1x4x128xi32, #tpu.memory_space<vmem>> -> memref<4x128xi32, #tpu.memory_space<vmem>>
    %dma_start3A_21 = arith.constant 0 : i32
    %dma_start3A_22 = tpu.memref_slice %arg2[%add3A_10, %dma_start3A_21] : memref<25600x128xi32, #tpu.memory_space<hbm>> -> memref<4x128xi32, #tpu.memory_space<hbm>>
    tpu.enqueue_dma source(%dma_start3A_22 : memref<4x128xi32, #tpu.memory_space<hbm>>) target(%dma_start3A_20 : memref<4x128xi32, #tpu.memory_space<vmem>>) target_semaphore(%arg11 : memref<!tpu.dma_semaphore, #tpu.memory_space<semaphore_mem>>)
    %add3A_23 = arith.constant 4 : i32
    %add3A_24 = arith.addi %mul3A_4, %add3A_23 : i32
    %dma_start3A_25 = arith.constant 1 : i32
    %dma_start3A_26 = arith.constant 0 : i32
    %dma_start3A_27 = arith.constant 0 : i32
    %dma_start3A_28 = tpu.memref_slice %arg5[%dma_start3A_25, %dma_start3A_26, %dma_start3A_27] : memref<4x4x128xi32, #tpu.memory_space<vmem>> -> memref<1x4x128xi32, #tpu.memory_space<vmem>>
    %dma_start3A_29 = tpu.memref_squeeze %dma_start3A_28 : memref<1x4x128xi32, #tpu.memory_space<vmem>> -> memref<4x128xi32, #tpu.memory_space<vmem>>
    %dma_start3A_30 = arith.constant 0 : i32
    %dma_start3A_31 = tpu.memref_slice %arg2[%add3A_24, %dma_start3A_30] : memref<25600x128xi32, #tpu.memory_space<hbm>> -> memref<4x128xi32, #tpu.memory_space<hbm>>
    %dma_start3A_32 = arith.constant 0 : i32
    %dma_start3A_33 = arith.constant 0 : i32
    %dma_start3A_34 = tpu.memref_slice %arg5[%dma_start3A_25, %dma_start3A_32, %dma_start3A_33] : memref<4x4x128xi32, #tpu.memory_space<vmem>> -> memref<1x4x128xi32, #tpu.memory_space<vmem>>
    %dma_start3A_35 = tpu.memref_squeeze %dma_start3A_34 : memref<1x4x128xi32, #tpu.memory_space<vmem>> -> memref<4x128xi32, #tpu.memory_space<vmem>>
    %dma_start3A_36 = arith.constant 0 : i32
    %dma_start3A_37 = tpu.memref_slice %arg2[%add3A_24, %dma_start3A_36] : memref<25600x128xi32, #tpu.memory_space<hbm>> -> memref<4x128xi32, #tpu.memory_space<hbm>>
    tpu.enqueue_dma source(%dma_start3A_37 : memref<4x128xi32, #tpu.memory_space<hbm>>) target(%dma_start3A_35 : memref<4x128xi32, #tpu.memory_space<vmem>>) target_semaphore(%arg12 : memref<!tpu.dma_semaphore, #tpu.memory_space<semaphore_mem>>)
    %add3A_38 = arith.constant 0 : i32
    %add3A_39 = arith.addi %mul3A_4, %add3A_38 : i32
    %dma_wait3A = arith.constant 0 : i32
    %dma_wait3A_40 = arith.constant 0 : i32
    %dma_wait3A_41 = arith.constant 0 : i32
    %dma_wait3A_42 = tpu.memref_slice %arg5[%dma_wait3A, %dma_wait3A_40, %dma_wait3A_41] : memref<4x4x128xi32, #tpu.memory_space<vmem>> -> memref<1x4x128xi32, #tpu.memory_space<vmem>>
    %dma_wait3A_43 = tpu.memref_squeeze %dma_wait3A_42 : memref<1x4x128xi32, #tpu.memory_space<vmem>> -> memref<4x128xi32, #tpu.memory_space<vmem>>
    %dma_wait3A_44 = arith.constant 0 : i32
    %dma_wait3A_45 = tpu.memref_slice %arg2[%add3A_39, %dma_wait3A_44] : memref<25600x128xi32, #tpu.memory_space<hbm>> -> memref<4x128xi32, #tpu.memory_space<hbm>>
    %dma_wait3A_46 = arith.constant 0 : i32
    %dma_wait3A_47 = arith.constant 0 : i32
    %dma_wait3A_48 = tpu.memref_slice %arg5[%dma_wait3A, %dma_wait3A_46, %dma_wait3A_47] : memref<4x4x128xi32, #tpu.memory_space<vmem>> -> memref<1x4x128xi32, #tpu.memory_space<vmem>>
    %dma_wait3A_49 = tpu.memref_squeeze %dma_wait3A_48 : memref<1x4x128xi32, #tpu.memory_space<vmem>> -> memref<4x128xi32, #tpu.memory_space<vmem>>
    %dma_wait3A_50 = arith.constant 0 : i32
    %dma_wait3A_51 = tpu.memref_slice %arg2[%add3A_39, %dma_wait3A_50] : memref<25600x128xi32, #tpu.memory_space<hbm>> -> memref<4x128xi32, #tpu.memory_space<hbm>>
    tpu.wait_dma2 semaphore(%arg11 : memref<!tpu.dma_semaphore, #tpu.memory_space<semaphore_mem>>) src(%dma_wait3A_51 : memref<4x128xi32, #tpu.memory_space<hbm>>) dst(%dma_wait3A_49 : memref<4x128xi32, #tpu.memory_space<vmem>>)
    %dma_start3A_52 = arith.constant 0 : i32
    %dma_start3A_53 = arith.constant 0 : i32
    %dma_start3A_54 = arith.constant 0 : i32
    %dma_start3A_55 = arith.constant 0 : i32
    %dma_start3A_56 = arith.constant 0 : i32
    %dma_start3A_57 = tpu.memref_slice %arg6[%dma_start3A_54, %dma_start3A_55, %dma_start3A_56] : memref<2x512x64xf32, #tpu.memory_space<vmem>> -> memref<1x128x64xf32, #tpu.memory_space<vmem>>
    %dma_start3A_58 = tpu.memref_squeeze %dma_start3A_57 : memref<1x128x64xf32, #tpu.memory_space<vmem>> -> memref<128x64xf32, #tpu.memory_space<vmem>>
    %dma_start3A_59 = arith.constant 0 : i32
    %dma_start3A_60 = tpu.memref_slice %arg5[%dma_start3A_52, %dma_start3A_53, %dma_start3A_59] : memref<4x4x128xi32, #tpu.memory_space<vmem>> -> memref<1x1x128xi32, #tpu.memory_space<vmem>>
    %dma_start3A_61 = tpu.memref_squeeze %dma_start3A_60 : memref<1x1x128xi32, #tpu.memory_space<vmem>> -> memref<128xi32, #tpu.memory_space<vmem>>
    %dma_start3A_62 = arith.constant 0 : i32
    %dma_start3A_63 = arith.constant 0 : i32
    %dma_start3A_64 = tpu.memref_slice %arg3[%dma_start3A_62, %dma_start3A_63] : memref<100000x64xf32, #tpu.memory_space<hbm>> -> memref<100000x64xf32, #tpu.memory_space<hbm>>
    tpu.enqueue_indirect_dma source(%dma_start3A_64 : memref<100000x64xf32, #tpu.memory_space<hbm>>) target(%dma_start3A_58 : memref<128x64xf32, #tpu.memory_space<vmem>>) offsets(%dma_start3A_61 : memref<128xi32, #tpu.memory_space<vmem>>) semaphore(%arg7 : memref<!tpu.dma_semaphore, #tpu.memory_space<semaphore_mem>>)
    %dma_start3A_65 = arith.constant 0 : i32
    %dma_start3A_66 = arith.constant 1 : i32
    %dma_start3A_67 = arith.constant 0 : i32
    %dma_start3A_68 = arith.constant 128 : i32
    %dma_start3A_69 = arith.constant 0 : i32
    %dma_start3A_70 = tpu.memref_slice %arg6[%dma_start3A_67, %dma_start3A_68, %dma_start3A_69] : memref<2x512x64xf32, #tpu.memory_space<vmem>> -> memref<1x128x64xf32, #tpu.memory_space<vmem>>
    %dma_start3A_71 = tpu.memref_squeeze %dma_start3A_70 : memref<1x128x64xf32, #tpu.memory_space<vmem>> -> memref<128x64xf32, #tpu.memory_space<vmem>>
    %dma_start3A_72 = arith.constant 0 : i32
    %dma_start3A_73 = tpu.memref_slice %arg5[%dma_start3A_65, %dma_start3A_66, %dma_start3A_72] : memref<4x4x128xi32, #tpu.memory_space<vmem>> -> memref<1x1x128xi32, #tpu.memory_space<vmem>>
    %dma_start3A_74 = tpu.memref_squeeze %dma_start3A_73 : memref<1x1x128xi32, #tpu.memory_space<vmem>> -> memref<128xi32, #tpu.memory_space<vmem>>
    %dma_start3A_75 = arith.constant 0 : i32
    %dma_start3A_76 = arith.constant 0 : i32
    %dma_start3A_77 = tpu.memref_slice %arg3[%dma_start3A_75, %dma_start3A_76] : memref<100000x64xf32, #tpu.memory_space<hbm>> -> memref<100000x64xf32, #tpu.memory_space<hbm>>
    tpu.enqueue_indirect_dma source(%dma_start3A_77 : memref<100000x64xf32, #tpu.memory_space<hbm>>) target(%dma_start3A_71 : memref<128x64xf32, #tpu.memory_space<vmem>>) offsets(%dma_start3A_74 : memref<128xi32, #tpu.memory_space<vmem>>) semaphore(%arg7 : memref<!tpu.dma_semaphore, #tpu.memory_space<semaphore_mem>>)
    %dma_start3A_78 = arith.constant 0 : i32
    %dma_start3A_79 = arith.constant 2 : i32
    %dma_start3A_80 = arith.constant 0 : i32
    %dma_start3A_81 = arith.constant 256 : i32
    %dma_start3A_82 = arith.constant 0 : i32
    %dma_start3A_83 = tpu.memref_slice %arg6[%dma_start3A_80, %dma_start3A_81, %dma_start3A_82] : memref<2x512x64xf32, #tpu.memory_space<vmem>> -> memref<1x128x64xf32, #tpu.memory_space<vmem>>
    %dma_start3A_84 = tpu.memref_squeeze %dma_start3A_83 : memref<1x128x64xf32, #tpu.memory_space<vmem>> -> memref<128x64xf32, #tpu.memory_space<vmem>>
    %dma_start3A_85 = arith.constant 0 : i32
    %dma_start3A_86 = tpu.memref_slice %arg5[%dma_start3A_78, %dma_start3A_79, %dma_start3A_85] : memref<4x4x128xi32, #tpu.memory_space<vmem>> -> memref<1x1x128xi32, #tpu.memory_space<vmem>>
    %dma_start3A_87 = tpu.memref_squeeze %dma_start3A_86 : memref<1x1x128xi32, #tpu.memory_space<vmem>> -> memref<128xi32, #tpu.memory_space<vmem>>
    %dma_start3A_88 = arith.constant 0 : i32
    %dma_start3A_89 = arith.constant 0 : i32
    %dma_start3A_90 = tpu.memref_slice %arg3[%dma_start3A_88, %dma_start3A_89] : memref<100000x64xf32, #tpu.memory_space<hbm>> -> memref<100000x64xf32, #tpu.memory_space<hbm>>
    tpu.enqueue_indirect_dma source(%dma_start3A_90 : memref<100000x64xf32, #tpu.memory_space<hbm>>) target(%dma_start3A_84 : memref<128x64xf32, #tpu.memory_space<vmem>>) offsets(%dma_start3A_87 : memref<128xi32, #tpu.memory_space<vmem>>) semaphore(%arg7 : memref<!tpu.dma_semaphore, #tpu.memory_space<semaphore_mem>>)
    %dma_start3A_91 = arith.constant 0 : i32
    %dma_start3A_92 = arith.constant 3 : i32
    %dma_start3A_93 = arith.constant 0 : i32
    %dma_start3A_94 = arith.constant 384 : i32
    %dma_start3A_95 = arith.constant 0 : i32
    %dma_start3A_96 = tpu.memref_slice %arg6[%dma_start3A_93, %dma_start3A_94, %dma_start3A_95] : memref<2x512x64xf32, #tpu.memory_space<vmem>> -> memref<1x128x64xf32, #tpu.memory_space<vmem>>
    %dma_start3A_97 = tpu.memref_squeeze %dma_start3A_96 : memref<1x128x64xf32, #tpu.memory_space<vmem>> -> memref<128x64xf32, #tpu.memory_space<vmem>>
    %dma_start3A_98 = arith.constant 0 : i32
    %dma_start3A_99 = tpu.memref_slice %arg5[%dma_start3A_91, %dma_start3A_92, %dma_start3A_98] : memref<4x4x128xi32, #tpu.memory_space<vmem>> -> memref<1x1x128xi32, #tpu.memory_space<vmem>>
    %dma_start3A_100 = tpu.memref_squeeze %dma_start3A_99 : memref<1x1x128xi32, #tpu.memory_space<vmem>> -> memref<128xi32, #tpu.memory_space<vmem>>
    %dma_start3A_101 = arith.constant 0 : i32
    %dma_start3A_102 = arith.constant 0 : i32
    %dma_start3A_103 = tpu.memref_slice %arg3[%dma_start3A_101, %dma_start3A_102] : memref<100000x64xf32, #tpu.memory_space<hbm>> -> memref<100000x64xf32, #tpu.memory_space<hbm>>
    tpu.enqueue_indirect_dma source(%dma_start3A_103 : memref<100000x64xf32, #tpu.memory_space<hbm>>) target(%dma_start3A_97 : memref<128x64xf32, #tpu.memory_space<vmem>>) offsets(%dma_start3A_100 : memref<128xi32, #tpu.memory_space<vmem>>) semaphore(%arg7 : memref<!tpu.dma_semaphore, #tpu.memory_space<semaphore_mem>>)
    %scan3A = arith.constant 0 : i32
    %scan3A_104 = arith.constant 0 : i32
    %scan3A_105 = arith.constant 50 : i32
    %scan3A_106 = arith.addi %scan3A_104, %scan3A_105 : i32
    %scan3A_107 = arith.constant 1 : i32
    scf.for %scan3A_139 = %scan3A_104 to %scan3A_106 step %scan3A_107  : i32 {
      %mul3A_140 = arith.constant 4 : i32
      %mul3A_141 = arith.muli %scan3A_139, %mul3A_140 : i32
      %add3A_142 = arith.constant 0 : i32
      %add3A_143 = arith.addi %mul3A_141, %add3A_142 : i32
      %add3A_144 = arith.constant 2 : i32
      %add3A_145 = arith.addi %add3A_143, %add3A_144 : i32
      %lt3A = arith.constant 200 : i32
      %lt3A_146 = arith.cmpi slt, %add3A_145, %lt3A : i32
      %convert_element_type3A = arith.extui %lt3A_146 : i1 to i32
      %cond3A = arith.constant 0 : i32
      %cond3A_147 = arith.cmpi ne, %convert_element_type3A, %cond3A : i32
      scf.if %cond3A_147 {
        %add3A_481 = arith.constant 2 : i32
        %add3A_482 = arith.addi %add3A_143, %add3A_481 : i32
        %mul3A_483 = arith.constant 4 : i32
        %mul3A_484 = arith.muli %add3A_482, %mul3A_483 : i32
        %add3A_485 = arith.addi %mul3A_4, %mul3A_484 : i32
        %dma_start3A_486 = arith.constant 2 : i32
        %dma_start3A_487 = arith.constant 0 : i32
        %dma_start3A_488 = arith.constant 0 : i32
        %dma_start3A_489 = tpu.memref_slice %arg5[%dma_start3A_486, %dma_start3A_487, %dma_start3A_488] : memref<4x4x128xi32, #tpu.memory_space<vmem>> -> memref<1x4x128xi32, #tpu.memory_space<vmem>>
        %dma_start3A_490 = tpu.memref_squeeze %dma_start3A_489 : memref<1x4x128xi32, #tpu.memory_space<vmem>> -> memref<4x128xi32, #tpu.memory_space<vmem>>
        %dma_start3A_491 = arith.constant 0 : i32
        %dma_start3A_492 = tpu.memref_slice %arg2[%add3A_485, %dma_start3A_491] : memref<25600x128xi32, #tpu.memory_space<hbm>> -> memref<4x128xi32, #tpu.memory_space<hbm>>
        %dma_start3A_493 = arith.constant 0 : i32
        %dma_start3A_494 = arith.constant 0 : i32
        %dma_start3A_495 = tpu.memref_slice %arg5[%dma_start3A_486, %dma_start3A_493, %dma_start3A_494] : memref<4x4x128xi32, #tpu.memory_space<vmem>> -> memref<1x4x128xi32, #tpu.memory_space<vmem>>
        %dma_start3A_496 = tpu.memref_squeeze %dma_start3A_495 : memref<1x4x128xi32, #tpu.memory_space<vmem>> -> memref<4x128xi32, #tpu.memory_space<vmem>>
        %dma_start3A_497 = arith.constant 0 : i32
        %dma_start3A_498 = tpu.memref_slice %arg2[%add3A_485, %dma_start3A_497] : memref<25600x128xi32, #tpu.memory_space<hbm>> -> memref<4x128xi32, #tpu.memory_space<hbm>>
        tpu.enqueue_dma source(%dma_start3A_498 : memref<4x128xi32, #tpu.memory_space<hbm>>) target(%dma_start3A_496 : memref<4x128xi32, #tpu.memory_space<vmem>>) target_semaphore(%arg13 : memref<!tpu.dma_semaphore, #tpu.memory_space<semaphore_mem>>)
      } else {
      }
      %dma_wait3A_148 = arith.constant 0 : i32
      %dma_wait3A_149 = arith.constant 0 : i32
      %dma_wait3A_150 = arith.constant 0 : i32
      %dma_wait3A_151 = arith.constant 0 : i32
      %dma_wait3A_152 = arith.constant 0 : i32
      %dma_wait3A_153 = tpu.memref_slice %arg6[%dma_wait3A_150, %dma_wait3A_151, %dma_wait3A_152] : memref<2x512x64xf32, #tpu.memory_space<vmem>> -> memref<1x128x64xf32, #tpu.memory_space<vmem>>
      %dma_wait3A_154 = tpu.memref_squeeze %dma_wait3A_153 : memref<1x128x64xf32, #tpu.memory_space<vmem>> -> memref<128x64xf32, #tpu.memory_space<vmem>>
      %dma_wait3A_155 = arith.constant 0 : i32
      %dma_wait3A_156 = tpu.memref_slice %arg5[%dma_wait3A_148, %dma_wait3A_149, %dma_wait3A_155] : memref<4x4x128xi32, #tpu.memory_space<vmem>> -> memref<1x1x128xi32, #tpu.memory_space<vmem>>
      %dma_wait3A_157 = tpu.memref_squeeze %dma_wait3A_156 : memref<1x1x128xi32, #tpu.memory_space<vmem>> -> memref<128xi32, #tpu.memory_space<vmem>>
      %dma_wait3A_158 = arith.constant 0 : i32
      %dma_wait3A_159 = arith.constant 0 : i32
      %dma_wait3A_160 = tpu.memref_slice %arg3[%dma_wait3A_158, %dma_wait3A_159] : memref<100000x64xf32, #tpu.memory_space<hbm>> -> memref<100000x64xf32, #tpu.memory_space<hbm>>
      tpu.wait_indirect_dma semaphore(%arg7 : memref<!tpu.dma_semaphore, #tpu.memory_space<semaphore_mem>>) src(%dma_wait3A_160 : memref<100000x64xf32, #tpu.memory_space<hbm>>) dst(%dma_wait3A_154 : memref<128x64xf32, #tpu.memory_space<vmem>>)
      %dma_wait3A_161 = arith.constant 0 : i32
      %dma_wait3A_162 = arith.constant 1 : i32
      %dma_wait3A_163 = arith.constant 0 : i32
      %dma_wait3A_164 = arith.constant 128 : i32
      %dma_wait3A_165 = arith.constant 0 : i32
      %dma_wait3A_166 = tpu.memref_slice %arg6[%dma_wait3A_163, %dma_wait3A_164, %dma_wait3A_165] : memref<2x512x64xf32, #tpu.memory_space<vmem>> -> memref<1x128x64xf32, #tpu.memory_space<vmem>>
      %dma_wait3A_167 = tpu.memref_squeeze %dma_wait3A_166 : memref<1x128x64xf32, #tpu.memory_space<vmem>> -> memref<128x64xf32, #tpu.memory_space<vmem>>
      %dma_wait3A_168 = arith.constant 0 : i32
      %dma_wait3A_169 = tpu.memref_slice %arg5[%dma_wait3A_161, %dma_wait3A_162, %dma_wait3A_168] : memref<4x4x128xi32, #tpu.memory_space<vmem>> -> memref<1x1x128xi32, #tpu.memory_space<vmem>>
      %dma_wait3A_170 = tpu.memref_squeeze %dma_wait3A_169 : memref<1x1x128xi32, #tpu.memory_space<vmem>> -> memref<128xi32, #tpu.memory_space<vmem>>
      %dma_wait3A_171 = arith.constant 0 : i32
      %dma_wait3A_172 = arith.constant 0 : i32
      %dma_wait3A_173 = tpu.memref_slice %arg3[%dma_wait3A_171, %dma_wait3A_172] : memref<100000x64xf32, #tpu.memory_space<hbm>> -> memref<100000x64xf32, #tpu.memory_space<hbm>>
      tpu.wait_indirect_dma semaphore(%arg7 : memref<!tpu.dma_semaphore, #tpu.memory_space<semaphore_mem>>) src(%dma_wait3A_173 : memref<100000x64xf32, #tpu.memory_space<hbm>>) dst(%dma_wait3A_167 : memref<128x64xf32, #tpu.memory_space<vmem>>)
      %dma_wait3A_174 = arith.constant 0 : i32
      %dma_wait3A_175 = arith.constant 2 : i32
      %dma_wait3A_176 = arith.constant 0 : i32
      %dma_wait3A_177 = arith.constant 256 : i32
      %dma_wait3A_178 = arith.constant 0 : i32
      %dma_wait3A_179 = tpu.memref_slice %arg6[%dma_wait3A_176, %dma_wait3A_177, %dma_wait3A_178] : memref<2x512x64xf32, #tpu.memory_space<vmem>> -> memref<1x128x64xf32, #tpu.memory_space<vmem>>
      %dma_wait3A_180 = tpu.memref_squeeze %dma_wait3A_179 : memref<1x128x64xf32, #tpu.memory_space<vmem>> -> memref<128x64xf32, #tpu.memory_space<vmem>>
      %dma_wait3A_181 = arith.constant 0 : i32
      %dma_wait3A_182 = tpu.memref_slice %arg5[%dma_wait3A_174, %dma_wait3A_175, %dma_wait3A_181] : memref<4x4x128xi32, #tpu.memory_space<vmem>> -> memref<1x1x128xi32, #tpu.memory_space<vmem>>
      %dma_wait3A_183 = tpu.memref_squeeze %dma_wait3A_182 : memref<1x1x128xi32, #tpu.memory_space<vmem>> -> memref<128xi32, #tpu.memory_space<vmem>>
      %dma_wait3A_184 = arith.constant 0 : i32
      %dma_wait3A_185 = arith.constant 0 : i32
      %dma_wait3A_186 = tpu.memref_slice %arg3[%dma_wait3A_184, %dma_wait3A_185] : memref<100000x64xf32, #tpu.memory_space<hbm>> -> memref<100000x64xf32, #tpu.memory_space<hbm>>
      tpu.wait_indirect_dma semaphore(%arg7 : memref<!tpu.dma_semaphore, #tpu.memory_space<semaphore_mem>>) src(%dma_wait3A_186 : memref<100000x64xf32, #tpu.memory_space<hbm>>) dst(%dma_wait3A_180 : memref<128x64xf32, #tpu.memory_space<vmem>>)
      %dma_wait3A_187 = arith.constant 0 : i32
      %dma_wait3A_188 = arith.constant 3 : i32
      %dma_wait3A_189 = arith.constant 0 : i32
      %dma_wait3A_190 = arith.constant 384 : i32
      %dma_wait3A_191 = arith.constant 0 : i32
      %dma_wait3A_192 = tpu.memref_slice %arg6[%dma_wait3A_189, %dma_wait3A_190, %dma_wait3A_191] : memref<2x512x64xf32, #tpu.memory_space<vmem>> -> memref<1x128x64xf32, #tpu.memory_space<vmem>>
      %dma_wait3A_193 = tpu.memref_squeeze %dma_wait3A_192 : memref<1x128x64xf32, #tpu.memory_space<vmem>> -> memref<128x64xf32, #tpu.memory_space<vmem>>
      %dma_wait3A_194 = arith.constant 0 : i32
      %dma_wait3A_195 = tpu.memref_slice %arg5[%dma_wait3A_187, %dma_wait3A_188, %dma_wait3A_194] : memref<4x4x128xi32, #tpu.memory_space<vmem>> -> memref<1x1x128xi32, #tpu.memory_space<vmem>>
      %dma_wait3A_196 = tpu.memref_squeeze %dma_wait3A_195 : memref<1x1x128xi32, #tpu.memory_space<vmem>> -> memref<128xi32, #tpu.memory_space<vmem>>
      %dma_wait3A_197 = arith.constant 0 : i32
      %dma_wait3A_198 = arith.constant 0 : i32
      %dma_wait3A_199 = tpu.memref_slice %arg3[%dma_wait3A_197, %dma_wait3A_198] : memref<100000x64xf32, #tpu.memory_space<hbm>> -> memref<100000x64xf32, #tpu.memory_space<hbm>>
      tpu.wait_indirect_dma semaphore(%arg7 : memref<!tpu.dma_semaphore, #tpu.memory_space<semaphore_mem>>) src(%dma_wait3A_199 : memref<100000x64xf32, #tpu.memory_space<hbm>>) dst(%dma_wait3A_193 : memref<128x64xf32, #tpu.memory_space<vmem>>)
      %mul3A_200 = arith.constant 512 : i32
      %mul3A_201 = arith.muli %add3A_143, %mul3A_200 : i32
      %add3A_202 = arith.addi %mul3A_8, %mul3A_201 : i32
      %dma_start3A_203 = arith.constant 0 : i32
      %dma_start3A_204 = arith.constant 0 : i32
      %dma_start3A_205 = arith.constant 0 : i32
      %dma_start3A_206 = tpu.memref_slice %arg6[%dma_start3A_203, %dma_start3A_204, %dma_start3A_205] : memref<2x512x64xf32, #tpu.memory_space<vmem>> -> memref<1x512x64xf32, #tpu.memory_space<vmem>>
      %dma_start3A_207 = tpu.memref_squeeze %dma_start3A_206 : memref<1x512x64xf32, #tpu.memory_space<vmem>> -> memref<512x64xf32, #tpu.memory_space<vmem>>
      %dma_start3A_208 = arith.constant 0 : i32
      %dma_start3A_209 = tpu.memref_slice %arg4[%add3A_202, %dma_start3A_208] : memref<3276800x64xf32, #tpu.memory_space<hbm>> -> memref<512x64xf32, #tpu.memory_space<hbm>>
      %dma_start3A_210 = arith.constant 0 : i32
      %dma_start3A_211 = tpu.memref_slice %arg4[%add3A_202, %dma_start3A_210] : memref<3276800x64xf32, #tpu.memory_space<hbm>> -> memref<512x64xf32, #tpu.memory_space<hbm>>
      %dma_start3A_212 = arith.constant 0 : i32
      %dma_start3A_213 = arith.constant 0 : i32
      %dma_start3A_214 = tpu.memref_slice %arg6[%dma_start3A_203, %dma_start3A_212, %dma_start3A_213] : memref<2x512x64xf32, #tpu.memory_space<vmem>> -> memref<1x512x64xf32, #tpu.memory_space<vmem>>
      %dma_start3A_215 = tpu.memref_squeeze %dma_start3A_214 : memref<1x512x64xf32, #tpu.memory_space<vmem>> -> memref<512x64xf32, #tpu.memory_space<vmem>>
      tpu.enqueue_dma source(%dma_start3A_215 : memref<512x64xf32, #tpu.memory_space<vmem>>) target(%dma_start3A_211 : memref<512x64xf32, #tpu.memory_space<hbm>>) target_semaphore(%arg9 : memref<!tpu.dma_semaphore, #tpu.memory_space<semaphore_mem>>)
      %add3A_216 = arith.constant 1 : i32
      %add3A_217 = arith.addi %add3A_143, %add3A_216 : i32
      %lt3A_218 = arith.constant 200 : i32
      %lt3A_219 = arith.cmpi slt, %add3A_217, %lt3A_218 : i32
      %convert_element_type3A_220 = arith.extui %lt3A_219 : i1 to i32
      %cond3A_221 = arith.constant 0 : i32
      %cond3A_222 = arith.cmpi ne, %convert_element_type3A_220, %cond3A_221 : i32
      scf.if %cond3A_222 {
        %gt3A = arith.constant 0 : i32
        %gt3A_481 = arith.cmpi sgt, %add3A_143, %gt3A : i32
        %convert_element_type3A_482 = arith.extui %gt3A_481 : i1 to i32
        %cond3A_483 = arith.constant 0 : i32
        %cond3A_484 = arith.cmpi ne, %convert_element_type3A_482, %cond3A_483 : i32
        scf.if %cond3A_484 {
          %sub3A = arith.constant 1 : i32
          %sub3A_555 = arith.subi %add3A_143, %sub3A : i32
          %mul3A_556 = arith.constant 512 : i32
          %mul3A_557 = arith.muli %sub3A_555, %mul3A_556 : i32
          %add3A_558 = arith.addi %mul3A_8, %mul3A_557 : i32
          %dma_wait3A_559 = arith.constant 1 : i32
          %dma_wait3A_560 = arith.constant 0 : i32
          %dma_wait3A_561 = arith.constant 0 : i32
          %dma_wait3A_562 = tpu.memref_slice %arg6[%dma_wait3A_559, %dma_wait3A_560, %dma_wait3A_561] : memref<2x512x64xf32, #tpu.memory_space<vmem>> -> memref<1x512x64xf32, #tpu.memory_space<vmem>>
          %dma_wait3A_563 = tpu.memref_squeeze %dma_wait3A_562 : memref<1x512x64xf32, #tpu.memory_space<vmem>> -> memref<512x64xf32, #tpu.memory_space<vmem>>
          %dma_wait3A_564 = arith.constant 0 : i32
          %dma_wait3A_565 = tpu.memref_slice %arg4[%add3A_558, %dma_wait3A_564] : memref<3276800x64xf32, #tpu.memory_space<hbm>> -> memref<512x64xf32, #tpu.memory_space<hbm>>
          %dma_wait3A_566 = arith.constant 0 : i32
          %dma_wait3A_567 = tpu.memref_slice %arg4[%add3A_558, %dma_wait3A_566] : memref<3276800x64xf32, #tpu.memory_space<hbm>> -> memref<512x64xf32, #tpu.memory_space<hbm>>
          %dma_wait3A_568 = arith.constant 0 : i32
          %dma_wait3A_569 = arith.constant 0 : i32
          %dma_wait3A_570 = tpu.memref_slice %arg6[%dma_wait3A_559, %dma_wait3A_568, %dma_wait3A_569] : memref<2x512x64xf32, #tpu.memory_space<vmem>> -> memref<1x512x64xf32, #tpu.memory_space<vmem>>
          %dma_wait3A_571 = tpu.memref_squeeze %dma_wait3A_570 : memref<1x512x64xf32, #tpu.memory_space<vmem>> -> memref<512x64xf32, #tpu.memory_space<vmem>>
          tpu.wait_dma2 semaphore(%arg10 : memref<!tpu.dma_semaphore, #tpu.memory_space<semaphore_mem>>) src(%dma_wait3A_571 : memref<512x64xf32, #tpu.memory_space<vmem>>) dst(%dma_wait3A_567 : memref<512x64xf32, #tpu.memory_space<hbm>>)
        } else {
        }
        %add3A_485 = arith.constant 1 : i32
        %add3A_486 = arith.addi %add3A_143, %add3A_485 : i32
        %mul3A_487 = arith.constant 4 : i32
        %mul3A_488 = arith.muli %add3A_486, %mul3A_487 : i32
        %add3A_489 = arith.addi %mul3A_4, %mul3A_488 : i32
        %dma_wait3A_490 = arith.constant 1 : i32
        %dma_wait3A_491 = arith.constant 0 : i32
        %dma_wait3A_492 = arith.constant 0 : i32
        %dma_wait3A_493 = tpu.memref_slice %arg5[%dma_wait3A_490, %dma_wait3A_491, %dma_wait3A_492] : memref<4x4x128xi32, #tpu.memory_space<vmem>> -> memref<1x4x128xi32, #tpu.memory_space<vmem>>
        %dma_wait3A_494 = tpu.memref_squeeze %dma_wait3A_493 : memref<1x4x128xi32, #tpu.memory_space<vmem>> -> memref<4x128xi32, #tpu.memory_space<vmem>>
        %dma_wait3A_495 = arith.constant 0 : i32
        %dma_wait3A_496 = tpu.memref_slice %arg2[%add3A_489, %dma_wait3A_495] : memref<25600x128xi32, #tpu.memory_space<hbm>> -> memref<4x128xi32, #tpu.memory_space<hbm>>
        %dma_wait3A_497 = arith.constant 0 : i32
        %dma_wait3A_498 = arith.constant 0 : i32
        %dma_wait3A_499 = tpu.memref_slice %arg5[%dma_wait3A_490, %dma_wait3A_497, %dma_wait3A_498] : memref<4x4x128xi32, #tpu.memory_space<vmem>> -> memref<1x4x128xi32, #tpu.memory_space<vmem>>
        %dma_wait3A_500 = tpu.memref_squeeze %dma_wait3A_499 : memref<1x4x128xi32, #tpu.memory_space<vmem>> -> memref<4x128xi32, #tpu.memory_space<vmem>>
        %dma_wait3A_501 = arith.constant 0 : i32
        %dma_wait3A_502 = tpu.memref_slice %arg2[%add3A_489, %dma_wait3A_501] : memref<25600x128xi32, #tpu.memory_space<hbm>> -> memref<4x128xi32, #tpu.memory_space<hbm>>
        tpu.wait_dma2 semaphore(%arg12 : memref<!tpu.dma_semaphore, #tpu.memory_space<semaphore_mem>>) src(%dma_wait3A_502 : memref<4x128xi32, #tpu.memory_space<hbm>>) dst(%dma_wait3A_500 : memref<4x128xi32, #tpu.memory_space<vmem>>)
        %dma_start3A_503 = arith.constant 1 : i32
        %dma_start3A_504 = arith.constant 0 : i32
        %dma_start3A_505 = arith.constant 1 : i32
        %dma_start3A_506 = arith.constant 0 : i32
        %dma_start3A_507 = arith.constant 0 : i32
        %dma_start3A_508 = tpu.memref_slice %arg6[%dma_start3A_505, %dma_start3A_506, %dma_start3A_507] : memref<2x512x64xf32, #tpu.memory_space<vmem>> -> memref<1x128x64xf32, #tpu.memory_space<vmem>>
        %dma_start3A_509 = tpu.memref_squeeze %dma_start3A_508 : memref<1x128x64xf32, #tpu.memory_space<vmem>> -> memref<128x64xf32, #tpu.memory_space<vmem>>
        %dma_start3A_510 = arith.constant 0 : i32
        %dma_start3A_511 = tpu.memref_slice %arg5[%dma_start3A_503, %dma_start3A_504, %dma_start3A_510] : memref<4x4x128xi32, #tpu.memory_space<vmem>> -> memref<1x1x128xi32, #tpu.memory_space<vmem>>
        %dma_start3A_512 = tpu.memref_squeeze %dma_start3A_511 : memref<1x1x128xi32, #tpu.memory_space<vmem>> -> memref<128xi32, #tpu.memory_space<vmem>>
        %dma_start3A_513 = arith.constant 0 : i32
        %dma_start3A_514 = arith.constant 0 : i32
        %dma_start3A_515 = tpu.memref_slice %arg3[%dma_start3A_513, %dma_start3A_514] : memref<100000x64xf32, #tpu.memory_space<hbm>> -> memref<100000x64xf32, #tpu.memory_space<hbm>>
        tpu.enqueue_indirect_dma source(%dma_start3A_515 : memref<100000x64xf32, #tpu.memory_space<hbm>>) target(%dma_start3A_509 : memref<128x64xf32, #tpu.memory_space<vmem>>) offsets(%dma_start3A_512 : memref<128xi32, #tpu.memory_space<vmem>>) semaphore(%arg8 : memref<!tpu.dma_semaphore, #tpu.memory_space<semaphore_mem>>)
        %dma_start3A_516 = arith.constant 1 : i32
        %dma_start3A_517 = arith.constant 1 : i32
        %dma_start3A_518 = arith.constant 1 : i32
        %dma_start3A_519 = arith.constant 128 : i32
        %dma_start3A_520 = arith.constant 0 : i32
        %dma_start3A_521 = tpu.memref_slice %arg6[%dma_start3A_518, %dma_start3A_519, %dma_start3A_520] : memref<2x512x64xf32, #tpu.memory_space<vmem>> -> memref<1x128x64xf32, #tpu.memory_space<vmem>>
        %dma_start3A_522 = tpu.memref_squeeze %dma_start3A_521 : memref<1x128x64xf32, #tpu.memory_space<vmem>> -> memref<128x64xf32, #tpu.memory_space<vmem>>
        %dma_start3A_523 = arith.constant 0 : i32
        %dma_start3A_524 = tpu.memref_slice %arg5[%dma_start3A_516, %dma_start3A_517, %dma_start3A_523] : memref<4x4x128xi32, #tpu.memory_space<vmem>> -> memref<1x1x128xi32, #tpu.memory_space<vmem>>
        %dma_start3A_525 = tpu.memref_squeeze %dma_start3A_524 : memref<1x1x128xi32, #tpu.memory_space<vmem>> -> memref<128xi32, #tpu.memory_space<vmem>>
        %dma_start3A_526 = arith.constant 0 : i32
        %dma_start3A_527 = arith.constant 0 : i32
        %dma_start3A_528 = tpu.memref_slice %arg3[%dma_start3A_526, %dma_start3A_527] : memref<100000x64xf32, #tpu.memory_space<hbm>> -> memref<100000x64xf32, #tpu.memory_space<hbm>>
        tpu.enqueue_indirect_dma source(%dma_start3A_528 : memref<100000x64xf32, #tpu.memory_space<hbm>>) target(%dma_start3A_522 : memref<128x64xf32, #tpu.memory_space<vmem>>) offsets(%dma_start3A_525 : memref<128xi32, #tpu.memory_space<vmem>>) semaphore(%arg8 : memref<!tpu.dma_semaphore, #tpu.memory_space<semaphore_mem>>)
        %dma_start3A_529 = arith.constant 1 : i32
        %dma_start3A_530 = arith.constant 2 : i32
        %dma_start3A_531 = arith.constant 1 : i32
        %dma_start3A_532 = arith.constant 256 : i32
        %dma_start3A_533 = arith.constant 0 : i32
        %dma_start3A_534 = tpu.memref_slice %arg6[%dma_start3A_531, %dma_start3A_532, %dma_start3A_533] : memref<2x512x64xf32, #tpu.memory_space<vmem>> -> memref<1x128x64xf32, #tpu.memory_space<vmem>>
        %dma_start3A_535 = tpu.memref_squeeze %dma_start3A_534 : memref<1x128x64xf32, #tpu.memory_space<vmem>> -> memref<128x64xf32, #tpu.memory_space<vmem>>
        %dma_start3A_536 = arith.constant 0 : i32
        %dma_start3A_537 = tpu.memref_slice %arg5[%dma_start3A_529, %dma_start3A_530, %dma_start3A_536] : memref<4x4x128xi32, #tpu.memory_space<vmem>> -> memref<1x1x128xi32, #tpu.memory_space<vmem>>
        %dma_start3A_538 = tpu.memref_squeeze %dma_start3A_537 : memref<1x1x128xi32, #tpu.memory_space<vmem>> -> memref<128xi32, #tpu.memory_space<vmem>>
        %dma_start3A_539 = arith.constant 0 : i32
        %dma_start3A_540 = arith.constant 0 : i32
        %dma_start3A_541 = tpu.memref_slice %arg3[%dma_start3A_539, %dma_start3A_540] : memref<100000x64xf32, #tpu.memory_space<hbm>> -> memref<100000x64xf32, #tpu.memory_space<hbm>>
        tpu.enqueue_indirect_dma source(%dma_start3A_541 : memref<100000x64xf32, #tpu.memory_space<hbm>>) target(%dma_start3A_535 : memref<128x64xf32, #tpu.memory_space<vmem>>) offsets(%dma_start3A_538 : memref<128xi32, #tpu.memory_space<vmem>>) semaphore(%arg8 : memref<!tpu.dma_semaphore, #tpu.memory_space<semaphore_mem>>)
        %dma_start3A_542 = arith.constant 1 : i32
        %dma_start3A_543 = arith.constant 3 : i32
        %dma_start3A_544 = arith.constant 1 : i32
        %dma_start3A_545 = arith.constant 384 : i32
        %dma_start3A_546 = arith.constant 0 : i32
        %dma_start3A_547 = tpu.memref_slice %arg6[%dma_start3A_544, %dma_start3A_545, %dma_start3A_546] : memref<2x512x64xf32, #tpu.memory_space<vmem>> -> memref<1x128x64xf32, #tpu.memory_space<vmem>>
        %dma_start3A_548 = tpu.memref_squeeze %dma_start3A_547 : memref<1x128x64xf32, #tpu.memory_space<vmem>> -> memref<128x64xf32, #tpu.memory_space<vmem>>
        %dma_start3A_549 = arith.constant 0 : i32
        %dma_start3A_550 = tpu.memref_slice %arg5[%dma_start3A_542, %dma_start3A_543, %dma_start3A_549] : memref<4x4x128xi32, #tpu.memory_space<vmem>> -> memref<1x1x128xi32, #tpu.memory_space<vmem>>
        %dma_start3A_551 = tpu.memref_squeeze %dma_start3A_550 : memref<1x1x128xi32, #tpu.memory_space<vmem>> -> memref<128xi32, #tpu.memory_space<vmem>>
        %dma_start3A_552 = arith.constant 0 : i32
        %dma_start3A_553 = arith.constant 0 : i32
        %dma_start3A_554 = tpu.memref_slice %arg3[%dma_start3A_552, %dma_start3A_553] : memref<100000x64xf32, #tpu.memory_space<hbm>> -> memref<100000x64xf32, #tpu.memory_space<hbm>>
        tpu.enqueue_indirect_dma source(%dma_start3A_554 : memref<100000x64xf32, #tpu.memory_space<hbm>>) target(%dma_start3A_548 : memref<128x64xf32, #tpu.memory_space<vmem>>) offsets(%dma_start3A_551 : memref<128xi32, #tpu.memory_space<vmem>>) semaphore(%arg8 : memref<!tpu.dma_semaphore, #tpu.memory_space<semaphore_mem>>)
      } else {
      }
      %mul3A_223 = arith.constant 4 : i32
      %mul3A_224 = arith.muli %scan3A_139, %mul3A_223 : i32
      %add3A_225 = arith.constant 1 : i32
      %add3A_226 = arith.addi %mul3A_224, %add3A_225 : i32
      %add3A_227 = arith.constant 2 : i32
      %add3A_228 = arith.addi %add3A_226, %add3A_227 : i32
      %lt3A_229 = arith.constant 200 : i32
      %lt3A_230 = arith.cmpi slt, %add3A_228, %lt3A_229 : i32
      %convert_element_type3A_231 = arith.extui %lt3A_230 : i1 to i32
      %cond3A_232 = arith.constant 0 : i32
      %cond3A_233 = arith.cmpi ne, %convert_element_type3A_231, %cond3A_232 : i32
      scf.if %cond3A_233 {
        %add3A_481 = arith.constant 2 : i32
        %add3A_482 = arith.addi %add3A_226, %add3A_481 : i32
        %mul3A_483 = arith.constant 4 : i32
        %mul3A_484 = arith.muli %add3A_482, %mul3A_483 : i32
        %add3A_485 = arith.addi %mul3A_4, %mul3A_484 : i32
        %dma_start3A_486 = arith.constant 3 : i32
        %dma_start3A_487 = arith.constant 0 : i32
        %dma_start3A_488 = arith.constant 0 : i32
        %dma_start3A_489 = tpu.memref_slice %arg5[%dma_start3A_486, %dma_start3A_487, %dma_start3A_488] : memref<4x4x128xi32, #tpu.memory_space<vmem>> -> memref<1x4x128xi32, #tpu.memory_space<vmem>>
        %dma_start3A_490 = tpu.memref_squeeze %dma_start3A_489 : memref<1x4x128xi32, #tpu.memory_space<vmem>> -> memref<4x128xi32, #tpu.memory_space<vmem>>
        %dma_start3A_491 = arith.constant 0 : i32
        %dma_start3A_492 = tpu.memref_slice %arg2[%add3A_485, %dma_start3A_491] : memref<25600x128xi32, #tpu.memory_space<hbm>> -> memref<4x128xi32, #tpu.memory_space<hbm>>
        %dma_start3A_493 = arith.constant 0 : i32
        %dma_start3A_494 = arith.constant 0 : i32
        %dma_start3A_495 = tpu.memref_slice %arg5[%dma_start3A_486, %dma_start3A_493, %dma_start3A_494] : memref<4x4x128xi32, #tpu.memory_space<vmem>> -> memref<1x4x128xi32, #tpu.memory_space<vmem>>
        %dma_start3A_496 = tpu.memref_squeeze %dma_start3A_495 : memref<1x4x128xi32, #tpu.memory_space<vmem>> -> memref<4x128xi32, #tpu.memory_space<vmem>>
        %dma_start3A_497 = arith.constant 0 : i32
        %dma_start3A_498 = tpu.memref_slice %arg2[%add3A_485, %dma_start3A_497] : memref<25600x128xi32, #tpu.memory_space<hbm>> -> memref<4x128xi32, #tpu.memory_space<hbm>>
        tpu.enqueue_dma source(%dma_start3A_498 : memref<4x128xi32, #tpu.memory_space<hbm>>) target(%dma_start3A_496 : memref<4x128xi32, #tpu.memory_space<vmem>>) target_semaphore(%arg14 : memref<!tpu.dma_semaphore, #tpu.memory_space<semaphore_mem>>)
      } else {
      }
      %dma_wait3A_234 = arith.constant 1 : i32
      %dma_wait3A_235 = arith.constant 0 : i32
      %dma_wait3A_236 = arith.constant 1 : i32
      %dma_wait3A_237 = arith.constant 0 : i32
      %dma_wait3A_238 = arith.constant 0 : i32
      %dma_wait3A_239 = tpu.memref_slice %arg6[%dma_wait3A_236, %dma_wait3A_237, %dma_wait3A_238] : memref<2x512x64xf32, #tpu.memory_space<vmem>> -> memref<1x128x64xf32, #tpu.memory_space<vmem>>
      %dma_wait3A_240 = tpu.memref_squeeze %dma_wait3A_239 : memref<1x128x64xf32, #tpu.memory_space<vmem>> -> memref<128x64xf32, #tpu.memory_space<vmem>>
      %dma_wait3A_241 = arith.constant 0 : i32
      %dma_wait3A_242 = tpu.memref_slice %arg5[%dma_wait3A_234, %dma_wait3A_235, %dma_wait3A_241] : memref<4x4x128xi32, #tpu.memory_space<vmem>> -> memref<1x1x128xi32, #tpu.memory_space<vmem>>
      %dma_wait3A_243 = tpu.memref_squeeze %dma_wait3A_242 : memref<1x1x128xi32, #tpu.memory_space<vmem>> -> memref<128xi32, #tpu.memory_space<vmem>>
      %dma_wait3A_244 = arith.constant 0 : i32
      %dma_wait3A_245 = arith.constant 0 : i32
      %dma_wait3A_246 = tpu.memref_slice %arg3[%dma_wait3A_244, %dma_wait3A_245] : memref<100000x64xf32, #tpu.memory_space<hbm>> -> memref<100000x64xf32, #tpu.memory_space<hbm>>
      tpu.wait_indirect_dma semaphore(%arg8 : memref<!tpu.dma_semaphore, #tpu.memory_space<semaphore_mem>>) src(%dma_wait3A_246 : memref<100000x64xf32, #tpu.memory_space<hbm>>) dst(%dma_wait3A_240 : memref<128x64xf32, #tpu.memory_space<vmem>>)
      %dma_wait3A_247 = arith.constant 1 : i32
      %dma_wait3A_248 = arith.constant 1 : i32
      %dma_wait3A_249 = arith.constant 1 : i32
      %dma_wait3A_250 = arith.constant 128 : i32
      %dma_wait3A_251 = arith.constant 0 : i32
      %dma_wait3A_252 = tpu.memref_slice %arg6[%dma_wait3A_249, %dma_wait3A_250, %dma_wait3A_251] : memref<2x512x64xf32, #tpu.memory_space<vmem>> -> memref<1x128x64xf32, #tpu.memory_space<vmem>>
      %dma_wait3A_253 = tpu.memref_squeeze %dma_wait3A_252 : memref<1x128x64xf32, #tpu.memory_space<vmem>> -> memref<128x64xf32, #tpu.memory_space<vmem>>
      %dma_wait3A_254 = arith.constant 0 : i32
      %dma_wait3A_255 = tpu.memref_slice %arg5[%dma_wait3A_247, %dma_wait3A_248, %dma_wait3A_254] : memref<4x4x128xi32, #tpu.memory_space<vmem>> -> memref<1x1x128xi32, #tpu.memory_space<vmem>>
      %dma_wait3A_256 = tpu.memref_squeeze %dma_wait3A_255 : memref<1x1x128xi32, #tpu.memory_space<vmem>> -> memref<128xi32, #tpu.memory_space<vmem>>
      %dma_wait3A_257 = arith.constant 0 : i32
      %dma_wait3A_258 = arith.constant 0 : i32
      %dma_wait3A_259 = tpu.memref_slice %arg3[%dma_wait3A_257, %dma_wait3A_258] : memref<100000x64xf32, #tpu.memory_space<hbm>> -> memref<100000x64xf32, #tpu.memory_space<hbm>>
      tpu.wait_indirect_dma semaphore(%arg8 : memref<!tpu.dma_semaphore, #tpu.memory_space<semaphore_mem>>) src(%dma_wait3A_259 : memref<100000x64xf32, #tpu.memory_space<hbm>>) dst(%dma_wait3A_253 : memref<128x64xf32, #tpu.memory_space<vmem>>)
      %dma_wait3A_260 = arith.constant 1 : i32
      %dma_wait3A_261 = arith.constant 2 : i32
      %dma_wait3A_262 = arith.constant 1 : i32
      %dma_wait3A_263 = arith.constant 256 : i32
      %dma_wait3A_264 = arith.constant 0 : i32
      %dma_wait3A_265 = tpu.memref_slice %arg6[%dma_wait3A_262, %dma_wait3A_263, %dma_wait3A_264] : memref<2x512x64xf32, #tpu.memory_space<vmem>> -> memref<1x128x64xf32, #tpu.memory_space<vmem>>
      %dma_wait3A_266 = tpu.memref_squeeze %dma_wait3A_265 : memref<1x128x64xf32, #tpu.memory_space<vmem>> -> memref<128x64xf32, #tpu.memory_space<vmem>>
      %dma_wait3A_267 = arith.constant 0 : i32
      %dma_wait3A_268 = tpu.memref_slice %arg5[%dma_wait3A_260, %dma_wait3A_261, %dma_wait3A_267] : memref<4x4x128xi32, #tpu.memory_space<vmem>> -> memref<1x1x128xi32, #tpu.memory_space<vmem>>
      %dma_wait3A_269 = tpu.memref_squeeze %dma_wait3A_268 : memref<1x1x128xi32, #tpu.memory_space<vmem>> -> memref<128xi32, #tpu.memory_space<vmem>>
      %dma_wait3A_270 = arith.constant 0 : i32
      %dma_wait3A_271 = arith.constant 0 : i32
      %dma_wait3A_272 = tpu.memref_slice %arg3[%dma_wait3A_270, %dma_wait3A_271] : memref<100000x64xf32, #tpu.memory_space<hbm>> -> memref<100000x64xf32, #tpu.memory_space<hbm>>
      tpu.wait_indirect_dma semaphore(%arg8 : memref<!tpu.dma_semaphore, #tpu.memory_space<semaphore_mem>>) src(%dma_wait3A_272 : memref<100000x64xf32, #tpu.memory_space<hbm>>) dst(%dma_wait3A_266 : memref<128x64xf32, #tpu.memory_space<vmem>>)
      %dma_wait3A_273 = arith.constant 1 : i32
      %dma_wait3A_274 = arith.constant 3 : i32
      %dma_wait3A_275 = arith.constant 1 : i32
      %dma_wait3A_276 = arith.constant 384 : i32
      %dma_wait3A_277 = arith.constant 0 : i32
      %dma_wait3A_278 = tpu.memref_slice %arg6[%dma_wait3A_275, %dma_wait3A_276, %dma_wait3A_277] : memref<2x512x64xf32, #tpu.memory_space<vmem>> -> memref<1x128x64xf32, #tpu.memory_space<vmem>>
      %dma_wait3A_279 = tpu.memref_squeeze %dma_wait3A_278 : memref<1x128x64xf32, #tpu.memory_space<vmem>> -> memref<128x64xf32, #tpu.memory_space<vmem>>
      %dma_wait3A_280 = arith.constant 0 : i32
      %dma_wait3A_281 = tpu.memref_slice %arg5[%dma_wait3A_273, %dma_wait3A_274, %dma_wait3A_280] : memref<4x4x128xi32, #tpu.memory_space<vmem>> -> memref<1x1x128xi32, #tpu.memory_space<vmem>>
      %dma_wait3A_282 = tpu.memref_squeeze %dma_wait3A_281 : memref<1x1x128xi32, #tpu.memory_space<vmem>> -> memref<128xi32, #tpu.memory_space<vmem>>
      %dma_wait3A_283 = arith.constant 0 : i32
      %dma_wait3A_284 = arith.constant 0 : i32
      %dma_wait3A_285 = tpu.memref_slice %arg3[%dma_wait3A_283, %dma_wait3A_284] : memref<100000x64xf32, #tpu.memory_space<hbm>> -> memref<100000x64xf32, #tpu.memory_space<hbm>>
      tpu.wait_indirect_dma semaphore(%arg8 : memref<!tpu.dma_semaphore, #tpu.memory_space<semaphore_mem>>) src(%dma_wait3A_285 : memref<100000x64xf32, #tpu.memory_space<hbm>>) dst(%dma_wait3A_279 : memref<128x64xf32, #tpu.memory_space<vmem>>)
      %mul3A_286 = arith.constant 512 : i32
      %mul3A_287 = arith.muli %add3A_226, %mul3A_286 : i32
      %add3A_288 = arith.addi %mul3A_8, %mul3A_287 : i32
      %dma_start3A_289 = arith.constant 1 : i32
      %dma_start3A_290 = arith.constant 0 : i32
      %dma_start3A_291 = arith.constant 0 : i32
      %dma_start3A_292 = tpu.memref_slice %arg6[%dma_start3A_289, %dma_start3A_290, %dma_start3A_291] : memref<2x512x64xf32, #tpu.memory_space<vmem>> -> memref<1x512x64xf32, #tpu.memory_space<vmem>>
      %dma_start3A_293 = tpu.memref_squeeze %dma_start3A_292 : memref<1x512x64xf32, #tpu.memory_space<vmem>> -> memref<512x64xf32, #tpu.memory_space<vmem>>
      %dma_start3A_294 = arith.constant 0 : i32
      %dma_start3A_295 = tpu.memref_slice %arg4[%add3A_288, %dma_start3A_294] : memref<3276800x64xf32, #tpu.memory_space<hbm>> -> memref<512x64xf32, #tpu.memory_space<hbm>>
      %dma_start3A_296 = arith.constant 0 : i32
      %dma_start3A_297 = tpu.memref_slice %arg4[%add3A_288, %dma_start3A_296] : memref<3276800x64xf32, #tpu.memory_space<hbm>> -> memref<512x64xf32, #tpu.memory_space<hbm>>
      %dma_start3A_298 = arith.constant 0 : i32
      %dma_start3A_299 = arith.constant 0 : i32
      %dma_start3A_300 = tpu.memref_slice %arg6[%dma_start3A_289, %dma_start3A_298, %dma_start3A_299] : memref<2x512x64xf32, #tpu.memory_space<vmem>> -> memref<1x512x64xf32, #tpu.memory_space<vmem>>
      %dma_start3A_301 = tpu.memref_squeeze %dma_start3A_300 : memref<1x512x64xf32, #tpu.memory_space<vmem>> -> memref<512x64xf32, #tpu.memory_space<vmem>>
      tpu.enqueue_dma source(%dma_start3A_301 : memref<512x64xf32, #tpu.memory_space<vmem>>) target(%dma_start3A_297 : memref<512x64xf32, #tpu.memory_space<hbm>>) target_semaphore(%arg10 : memref<!tpu.dma_semaphore, #tpu.memory_space<semaphore_mem>>)
      %add3A_302 = arith.constant 1 : i32
      %add3A_303 = arith.addi %add3A_226, %add3A_302 : i32
      %lt3A_304 = arith.constant 200 : i32
      %lt3A_305 = arith.cmpi slt, %add3A_303, %lt3A_304 : i32
      %convert_element_type3A_306 = arith.extui %lt3A_305 : i1 to i32
      %cond3A_307 = arith.constant 0 : i32
      %cond3A_308 = arith.cmpi ne, %convert_element_type3A_306, %cond3A_307 : i32
      scf.if %cond3A_308 {
        %gt3A = arith.constant 0 : i32
        %gt3A_481 = arith.cmpi sgt, %add3A_226, %gt3A : i32
        %convert_element_type3A_482 = arith.extui %gt3A_481 : i1 to i32
        %cond3A_483 = arith.constant 0 : i32
        %cond3A_484 = arith.cmpi ne, %convert_element_type3A_482, %cond3A_483 : i32
        scf.if %cond3A_484 {
          %sub3A = arith.constant 1 : i32
          %sub3A_555 = arith.subi %add3A_226, %sub3A : i32
          %mul3A_556 = arith.constant 512 : i32
          %mul3A_557 = arith.muli %sub3A_555, %mul3A_556 : i32
          %add3A_558 = arith.addi %mul3A_8, %mul3A_557 : i32
          %dma_wait3A_559 = arith.constant 0 : i32
          %dma_wait3A_560 = arith.constant 0 : i32
          %dma_wait3A_561 = arith.constant 0 : i32
          %dma_wait3A_562 = tpu.memref_slice %arg6[%dma_wait3A_559, %dma_wait3A_560, %dma_wait3A_561] : memref<2x512x64xf32, #tpu.memory_space<vmem>> -> memref<1x512x64xf32, #tpu.memory_space<vmem>>
          %dma_wait3A_563 = tpu.memref_squeeze %dma_wait3A_562 : memref<1x512x64xf32, #tpu.memory_space<vmem>> -> memref<512x64xf32, #tpu.memory_space<vmem>>
          %dma_wait3A_564 = arith.constant 0 : i32
          %dma_wait3A_565 = tpu.memref_slice %arg4[%add3A_558, %dma_wait3A_564] : memref<3276800x64xf32, #tpu.memory_space<hbm>> -> memref<512x64xf32, #tpu.memory_space<hbm>>
          %dma_wait3A_566 = arith.constant 0 : i32
          %dma_wait3A_567 = tpu.memref_slice %arg4[%add3A_558, %dma_wait3A_566] : memref<3276800x64xf32, #tpu.memory_space<hbm>> -> memref<512x64xf32, #tpu.memory_space<hbm>>
          %dma_wait3A_568 = arith.constant 0 : i32
          %dma_wait3A_569 = arith.constant 0 : i32
          %dma_wait3A_570 = tpu.memref_slice %arg6[%dma_wait3A_559, %dma_wait3A_568, %dma_wait3A_569] : memref<2x512x64xf32, #tpu.memory_space<vmem>> -> memref<1x512x64xf32, #tpu.memory_space<vmem>>
          %dma_wait3A_571 = tpu.memref_squeeze %dma_wait3A_570 : memref<1x512x64xf32, #tpu.memory_space<vmem>> -> memref<512x64xf32, #tpu.memory_space<vmem>>
          tpu.wait_dma2 semaphore(%arg9 : memref<!tpu.dma_semaphore, #tpu.memory_space<semaphore_mem>>) src(%dma_wait3A_571 : memref<512x64xf32, #tpu.memory_space<vmem>>) dst(%dma_wait3A_567 : memref<512x64xf32, #tpu.memory_space<hbm>>)
        } else {
        }
        %add3A_485 = arith.constant 1 : i32
        %add3A_486 = arith.addi %add3A_226, %add3A_485 : i32
        %mul3A_487 = arith.constant 4 : i32
        %mul3A_488 = arith.muli %add3A_486, %mul3A_487 : i32
        %add3A_489 = arith.addi %mul3A_4, %mul3A_488 : i32
        %dma_wait3A_490 = arith.constant 2 : i32
        %dma_wait3A_491 = arith.constant 0 : i32
        %dma_wait3A_492 = arith.constant 0 : i32
        %dma_wait3A_493 = tpu.memref_slice %arg5[%dma_wait3A_490, %dma_wait3A_491, %dma_wait3A_492] : memref<4x4x128xi32, #tpu.memory_space<vmem>> -> memref<1x4x128xi32, #tpu.memory_space<vmem>>
        %dma_wait3A_494 = tpu.memref_squeeze %dma_wait3A_493 : memref<1x4x128xi32, #tpu.memory_space<vmem>> -> memref<4x128xi32, #tpu.memory_space<vmem>>
        %dma_wait3A_495 = arith.constant 0 : i32
        %dma_wait3A_496 = tpu.memref_slice %arg2[%add3A_489, %dma_wait3A_495] : memref<25600x128xi32, #tpu.memory_space<hbm>> -> memref<4x128xi32, #tpu.memory_space<hbm>>
        %dma_wait3A_497 = arith.constant 0 : i32
        %dma_wait3A_498 = arith.constant 0 : i32
        %dma_wait3A_499 = tpu.memref_slice %arg5[%dma_wait3A_490, %dma_wait3A_497, %dma_wait3A_498] : memref<4x4x128xi32, #tpu.memory_space<vmem>> -> memref<1x4x128xi32, #tpu.memory_space<vmem>>
        %dma_wait3A_500 = tpu.memref_squeeze %dma_wait3A_499 : memref<1x4x128xi32, #tpu.memory_space<vmem>> -> memref<4x128xi32, #tpu.memory_space<vmem>>
        %dma_wait3A_501 = arith.constant 0 : i32
        %dma_wait3A_502 = tpu.memref_slice %arg2[%add3A_489, %dma_wait3A_501] : memref<25600x128xi32, #tpu.memory_space<hbm>> -> memref<4x128xi32, #tpu.memory_space<hbm>>
        tpu.wait_dma2 semaphore(%arg13 : memref<!tpu.dma_semaphore, #tpu.memory_space<semaphore_mem>>) src(%dma_wait3A_502 : memref<4x128xi32, #tpu.memory_space<hbm>>) dst(%dma_wait3A_500 : memref<4x128xi32, #tpu.memory_space<vmem>>)
        %dma_start3A_503 = arith.constant 2 : i32
        %dma_start3A_504 = arith.constant 0 : i32
        %dma_start3A_505 = arith.constant 0 : i32
        %dma_start3A_506 = arith.constant 0 : i32
        %dma_start3A_507 = arith.constant 0 : i32
        %dma_start3A_508 = tpu.memref_slice %arg6[%dma_start3A_505, %dma_start3A_506, %dma_start3A_507] : memref<2x512x64xf32, #tpu.memory_space<vmem>> -> memref<1x128x64xf32, #tpu.memory_space<vmem>>
        %dma_start3A_509 = tpu.memref_squeeze %dma_start3A_508 : memref<1x128x64xf32, #tpu.memory_space<vmem>> -> memref<128x64xf32, #tpu.memory_space<vmem>>
        %dma_start3A_510 = arith.constant 0 : i32
        %dma_start3A_511 = tpu.memref_slice %arg5[%dma_start3A_503, %dma_start3A_504, %dma_start3A_510] : memref<4x4x128xi32, #tpu.memory_space<vmem>> -> memref<1x1x128xi32, #tpu.memory_space<vmem>>
        %dma_start3A_512 = tpu.memref_squeeze %dma_start3A_511 : memref<1x1x128xi32, #tpu.memory_space<vmem>> -> memref<128xi32, #tpu.memory_space<vmem>>
        %dma_start3A_513 = arith.constant 0 : i32
        %dma_start3A_514 = arith.constant 0 : i32
        %dma_start3A_515 = tpu.memref_slice %arg3[%dma_start3A_513, %dma_start3A_514] : memref<100000x64xf32, #tpu.memory_space<hbm>> -> memref<100000x64xf32, #tpu.memory_space<hbm>>
        tpu.enqueue_indirect_dma source(%dma_start3A_515 : memref<100000x64xf32, #tpu.memory_space<hbm>>) target(%dma_start3A_509 : memref<128x64xf32, #tpu.memory_space<vmem>>) offsets(%dma_start3A_512 : memref<128xi32, #tpu.memory_space<vmem>>) semaphore(%arg7 : memref<!tpu.dma_semaphore, #tpu.memory_space<semaphore_mem>>)
        %dma_start3A_516 = arith.constant 2 : i32
        %dma_start3A_517 = arith.constant 1 : i32
        %dma_start3A_518 = arith.constant 0 : i32
        %dma_start3A_519 = arith.constant 128 : i32
        %dma_start3A_520 = arith.constant 0 : i32
        %dma_start3A_521 = tpu.memref_slice %arg6[%dma_start3A_518, %dma_start3A_519, %dma_start3A_520] : memref<2x512x64xf32, #tpu.memory_space<vmem>> -> memref<1x128x64xf32, #tpu.memory_space<vmem>>
        %dma_start3A_522 = tpu.memref_squeeze %dma_start3A_521 : memref<1x128x64xf32, #tpu.memory_space<vmem>> -> memref<128x64xf32, #tpu.memory_space<vmem>>
        %dma_start3A_523 = arith.constant 0 : i32
        %dma_start3A_524 = tpu.memref_slice %arg5[%dma_start3A_516, %dma_start3A_517, %dma_start3A_523] : memref<4x4x128xi32, #tpu.memory_space<vmem>> -> memref<1x1x128xi32, #tpu.memory_space<vmem>>
        %dma_start3A_525 = tpu.memref_squeeze %dma_start3A_524 : memref<1x1x128xi32, #tpu.memory_space<vmem>> -> memref<128xi32, #tpu.memory_space<vmem>>
        %dma_start3A_526 = arith.constant 0 : i32
        %dma_start3A_527 = arith.constant 0 : i32
        %dma_start3A_528 = tpu.memref_slice %arg3[%dma_start3A_526, %dma_start3A_527] : memref<100000x64xf32, #tpu.memory_space<hbm>> -> memref<100000x64xf32, #tpu.memory_space<hbm>>
        tpu.enqueue_indirect_dma source(%dma_start3A_528 : memref<100000x64xf32, #tpu.memory_space<hbm>>) target(%dma_start3A_522 : memref<128x64xf32, #tpu.memory_space<vmem>>) offsets(%dma_start3A_525 : memref<128xi32, #tpu.memory_space<vmem>>) semaphore(%arg7 : memref<!tpu.dma_semaphore, #tpu.memory_space<semaphore_mem>>)
        %dma_start3A_529 = arith.constant 2 : i32
        %dma_start3A_530 = arith.constant 2 : i32
        %dma_start3A_531 = arith.constant 0 : i32
        %dma_start3A_532 = arith.constant 256 : i32
        %dma_start3A_533 = arith.constant 0 : i32
        %dma_start3A_534 = tpu.memref_slice %arg6[%dma_start3A_531, %dma_start3A_532, %dma_start3A_533] : memref<2x512x64xf32, #tpu.memory_space<vmem>> -> memref<1x128x64xf32, #tpu.memory_space<vmem>>
        %dma_start3A_535 = tpu.memref_squeeze %dma_start3A_534 : memref<1x128x64xf32, #tpu.memory_space<vmem>> -> memref<128x64xf32, #tpu.memory_space<vmem>>
        %dma_start3A_536 = arith.constant 0 : i32
        %dma_start3A_537 = tpu.memref_slice %arg5[%dma_start3A_529, %dma_start3A_530, %dma_start3A_536] : memref<4x4x128xi32, #tpu.memory_space<vmem>> -> memref<1x1x128xi32, #tpu.memory_space<vmem>>
        %dma_start3A_538 = tpu.memref_squeeze %dma_start3A_537 : memref<1x1x128xi32, #tpu.memory_space<vmem>> -> memref<128xi32, #tpu.memory_space<vmem>>
        %dma_start3A_539 = arith.constant 0 : i32
        %dma_start3A_540 = arith.constant 0 : i32
        %dma_start3A_541 = tpu.memref_slice %arg3[%dma_start3A_539, %dma_start3A_540] : memref<100000x64xf32, #tpu.memory_space<hbm>> -> memref<100000x64xf32, #tpu.memory_space<hbm>>
        tpu.enqueue_indirect_dma source(%dma_start3A_541 : memref<100000x64xf32, #tpu.memory_space<hbm>>) target(%dma_start3A_535 : memref<128x64xf32, #tpu.memory_space<vmem>>) offsets(%dma_start3A_538 : memref<128xi32, #tpu.memory_space<vmem>>) semaphore(%arg7 : memref<!tpu.dma_semaphore, #tpu.memory_space<semaphore_mem>>)
        %dma_start3A_542 = arith.constant 2 : i32
        %dma_start3A_543 = arith.constant 3 : i32
        %dma_start3A_544 = arith.constant 0 : i32
        %dma_start3A_545 = arith.constant 384 : i32
        %dma_start3A_546 = arith.constant 0 : i32
        %dma_start3A_547 = tpu.memref_slice %arg6[%dma_start3A_544, %dma_start3A_545, %dma_start3A_546] : memref<2x512x64xf32, #tpu.memory_space<vmem>> -> memref<1x128x64xf32, #tpu.memory_space<vmem>>
        %dma_start3A_548 = tpu.memref_squeeze %dma_start3A_547 : memref<1x128x64xf32, #tpu.memory_space<vmem>> -> memref<128x64xf32, #tpu.memory_space<vmem>>
        %dma_start3A_549 = arith.constant 0 : i32
        %dma_start3A_550 = tpu.memref_slice %arg5[%dma_start3A_542, %dma_start3A_543, %dma_start3A_549] : memref<4x4x128xi32, #tpu.memory_space<vmem>> -> memref<1x1x128xi32, #tpu.memory_space<vmem>>
        %dma_start3A_551 = tpu.memref_squeeze %dma_start3A_550 : memref<1x1x128xi32, #tpu.memory_space<vmem>> -> memref<128xi32, #tpu.memory_space<vmem>>
        %dma_start3A_552 = arith.constant 0 : i32
        %dma_start3A_553 = arith.constant 0 : i32
        %dma_start3A_554 = tpu.memref_slice %arg3[%dma_start3A_552, %dma_start3A_553] : memref<100000x64xf32, #tpu.memory_space<hbm>> -> memref<100000x64xf32, #tpu.memory_space<hbm>>
        tpu.enqueue_indirect_dma source(%dma_start3A_554 : memref<100000x64xf32, #tpu.memory_space<hbm>>) target(%dma_start3A_548 : memref<128x64xf32, #tpu.memory_space<vmem>>) offsets(%dma_start3A_551 : memref<128xi32, #tpu.memory_space<vmem>>) semaphore(%arg7 : memref<!tpu.dma_semaphore, #tpu.memory_space<semaphore_mem>>)
      } else {
      }
      %mul3A_309 = arith.constant 4 : i32
      %mul3A_310 = arith.muli %scan3A_139, %mul3A_309 : i32
      %add3A_311 = arith.constant 2 : i32
      %add3A_312 = arith.addi %mul3A_310, %add3A_311 : i32
      %add3A_313 = arith.constant 2 : i32
      %add3A_314 = arith.addi %add3A_312, %add3A_313 : i32
      %lt3A_315 = arith.constant 200 : i32
      %lt3A_316 = arith.cmpi slt, %add3A_314, %lt3A_315 : i32
      %convert_element_type3A_317 = arith.extui %lt3A_316 : i1 to i32
      %cond3A_318 = arith.constant 0 : i32
      %cond3A_319 = arith.cmpi ne, %convert_element_type3A_317, %cond3A_318 : i32
      scf.if %cond3A_319 {
        %add3A_481 = arith.constant 2 : i32
        %add3A_482 = arith.addi %add3A_312, %add3A_481 : i32
        %mul3A_483 = arith.constant 4 : i32
        %mul3A_484 = arith.muli %add3A_482, %mul3A_483 : i32
        %add3A_485 = arith.addi %mul3A_4, %mul3A_484 : i32
        %dma_start3A_486 = arith.constant 0 : i32
        %dma_start3A_487 = arith.constant 0 : i32
        %dma_start3A_488 = arith.constant 0 : i32
        %dma_start3A_489 = tpu.memref_slice %arg5[%dma_start3A_486, %dma_start3A_487, %dma_start3A_488] : memref<4x4x128xi32, #tpu.memory_space<vmem>> -> memref<1x4x128xi32, #tpu.memory_space<vmem>>
        %dma_start3A_490 = tpu.memref_squeeze %dma_start3A_489 : memref<1x4x128xi32, #tpu.memory_space<vmem>> -> memref<4x128xi32, #tpu.memory_space<vmem>>
        %dma_start3A_491 = arith.constant 0 : i32
        %dma_start3A_492 = tpu.memref_slice %arg2[%add3A_485, %dma_start3A_491] : memref<25600x128xi32, #tpu.memory_space<hbm>> -> memref<4x128xi32, #tpu.memory_space<hbm>>
        %dma_start3A_493 = arith.constant 0 : i32
        %dma_start3A_494 = arith.constant 0 : i32
        %dma_start3A_495 = tpu.memref_slice %arg5[%dma_start3A_486, %dma_start3A_493, %dma_start3A_494] : memref<4x4x128xi32, #tpu.memory_space<vmem>> -> memref<1x4x128xi32, #tpu.memory_space<vmem>>
        %dma_start3A_496 = tpu.memref_squeeze %dma_start3A_495 : memref<1x4x128xi32, #tpu.memory_space<vmem>> -> memref<4x128xi32, #tpu.memory_space<vmem>>
        %dma_start3A_497 = arith.constant 0 : i32
        %dma_start3A_498 = tpu.memref_slice %arg2[%add3A_485, %dma_start3A_497] : memref<25600x128xi32, #tpu.memory_space<hbm>> -> memref<4x128xi32, #tpu.memory_space<hbm>>
        tpu.enqueue_dma source(%dma_start3A_498 : memref<4x128xi32, #tpu.memory_space<hbm>>) target(%dma_start3A_496 : memref<4x128xi32, #tpu.memory_space<vmem>>) target_semaphore(%arg11 : memref<!tpu.dma_semaphore, #tpu.memory_space<semaphore_mem>>)
      } else {
      }
      %dma_wait3A_320 = arith.constant 2 : i32
      %dma_wait3A_321 = arith.constant 0 : i32
      %dma_wait3A_322 = arith.constant 0 : i32
      %dma_wait3A_323 = arith.constant 0 : i32
      %dma_wait3A_324 = arith.constant 0 : i32
      %dma_wait3A_325 = tpu.memref_slice %arg6[%dma_wait3A_322, %dma_wait3A_323, %dma_wait3A_324] : memref<2x512x64xf32, #tpu.memory_space<vmem>> -> memref<1x128x64xf32, #tpu.memory_space<vmem>>
      %dma_wait3A_326 = tpu.memref_squeeze %dma_wait3A_325 : memref<1x128x64xf32, #tpu.memory_space<vmem>> -> memref<128x64xf32, #tpu.memory_space<vmem>>
      %dma_wait3A_327 = arith.constant 0 : i32
      %dma_wait3A_328 = tpu.memref_slice %arg5[%dma_wait3A_320, %dma_wait3A_321, %dma_wait3A_327] : memref<4x4x128xi32, #tpu.memory_space<vmem>> -> memref<1x1x128xi32, #tpu.memory_space<vmem>>
      %dma_wait3A_329 = tpu.memref_squeeze %dma_wait3A_328 : memref<1x1x128xi32, #tpu.memory_space<vmem>> -> memref<128xi32, #tpu.memory_space<vmem>>
      %dma_wait3A_330 = arith.constant 0 : i32
      %dma_wait3A_331 = arith.constant 0 : i32
      %dma_wait3A_332 = tpu.memref_slice %arg3[%dma_wait3A_330, %dma_wait3A_331] : memref<100000x64xf32, #tpu.memory_space<hbm>> -> memref<100000x64xf32, #tpu.memory_space<hbm>>
      tpu.wait_indirect_dma semaphore(%arg7 : memref<!tpu.dma_semaphore, #tpu.memory_space<semaphore_mem>>) src(%dma_wait3A_332 : memref<100000x64xf32, #tpu.memory_space<hbm>>) dst(%dma_wait3A_326 : memref<128x64xf32, #tpu.memory_space<vmem>>)
      %dma_wait3A_333 = arith.constant 2 : i32
      %dma_wait3A_334 = arith.constant 1 : i32
      %dma_wait3A_335 = arith.constant 0 : i32
      %dma_wait3A_336 = arith.constant 128 : i32
      %dma_wait3A_337 = arith.constant 0 : i32
      %dma_wait3A_338 = tpu.memref_slice %arg6[%dma_wait3A_335, %dma_wait3A_336, %dma_wait3A_337] : memref<2x512x64xf32, #tpu.memory_space<vmem>> -> memref<1x128x64xf32, #tpu.memory_space<vmem>>
      %dma_wait3A_339 = tpu.memref_squeeze %dma_wait3A_338 : memref<1x128x64xf32, #tpu.memory_space<vmem>> -> memref<128x64xf32, #tpu.memory_space<vmem>>
      %dma_wait3A_340 = arith.constant 0 : i32
      %dma_wait3A_341 = tpu.memref_slice %arg5[%dma_wait3A_333, %dma_wait3A_334, %dma_wait3A_340] : memref<4x4x128xi32, #tpu.memory_space<vmem>> -> memref<1x1x128xi32, #tpu.memory_space<vmem>>
      %dma_wait3A_342 = tpu.memref_squeeze %dma_wait3A_341 : memref<1x1x128xi32, #tpu.memory_space<vmem>> -> memref<128xi32, #tpu.memory_space<vmem>>
      %dma_wait3A_343 = arith.constant 0 : i32
      %dma_wait3A_344 = arith.constant 0 : i32
      %dma_wait3A_345 = tpu.memref_slice %arg3[%dma_wait3A_343, %dma_wait3A_344] : memref<100000x64xf32, #tpu.memory_space<hbm>> -> memref<100000x64xf32, #tpu.memory_space<hbm>>
      tpu.wait_indirect_dma semaphore(%arg7 : memref<!tpu.dma_semaphore, #tpu.memory_space<semaphore_mem>>) src(%dma_wait3A_345 : memref<100000x64xf32, #tpu.memory_space<hbm>>) dst(%dma_wait3A_339 : memref<128x64xf32, #tpu.memory_space<vmem>>)
      %dma_wait3A_346 = arith.constant 2 : i32
      %dma_wait3A_347 = arith.constant 2 : i32
      %dma_wait3A_348 = arith.constant 0 : i32
      %dma_wait3A_349 = arith.constant 256 : i32
      %dma_wait3A_350 = arith.constant 0 : i32
      %dma_wait3A_351 = tpu.memref_slice %arg6[%dma_wait3A_348, %dma_wait3A_349, %dma_wait3A_350] : memref<2x512x64xf32, #tpu.memory_space<vmem>> -> memref<1x128x64xf32, #tpu.memory_space<vmem>>
      %dma_wait3A_352 = tpu.memref_squeeze %dma_wait3A_351 : memref<1x128x64xf32, #tpu.memory_space<vmem>> -> memref<128x64xf32, #tpu.memory_space<vmem>>
      %dma_wait3A_353 = arith.constant 0 : i32
      %dma_wait3A_354 = tpu.memref_slice %arg5[%dma_wait3A_346, %dma_wait3A_347, %dma_wait3A_353] : memref<4x4x128xi32, #tpu.memory_space<vmem>> -> memref<1x1x128xi32, #tpu.memory_space<vmem>>
      %dma_wait3A_355 = tpu.memref_squeeze %dma_wait3A_354 : memref<1x1x128xi32, #tpu.memory_space<vmem>> -> memref<128xi32, #tpu.memory_space<vmem>>
      %dma_wait3A_356 = arith.constant 0 : i32
      %dma_wait3A_357 = arith.constant 0 : i32
      %dma_wait3A_358 = tpu.memref_slice %arg3[%dma_wait3A_356, %dma_wait3A_357] : memref<100000x64xf32, #tpu.memory_space<hbm>> -> memref<100000x64xf32, #tpu.memory_space<hbm>>
      tpu.wait_indirect_dma semaphore(%arg7 : memref<!tpu.dma_semaphore, #tpu.memory_space<semaphore_mem>>) src(%dma_wait3A_358 : memref<100000x64xf32, #tpu.memory_space<hbm>>) dst(%dma_wait3A_352 : memref<128x64xf32, #tpu.memory_space<vmem>>)
      %dma_wait3A_359 = arith.constant 2 : i32
      %dma_wait3A_360 = arith.constant 3 : i32
      %dma_wait3A_361 = arith.constant 0 : i32
      %dma_wait3A_362 = arith.constant 384 : i32
      %dma_wait3A_363 = arith.constant 0 : i32
      %dma_wait3A_364 = tpu.memref_slice %arg6[%dma_wait3A_361, %dma_wait3A_362, %dma_wait3A_363] : memref<2x512x64xf32, #tpu.memory_space<vmem>> -> memref<1x128x64xf32, #tpu.memory_space<vmem>>
      %dma_wait3A_365 = tpu.memref_squeeze %dma_wait3A_364 : memref<1x128x64xf32, #tpu.memory_space<vmem>> -> memref<128x64xf32, #tpu.memory_space<vmem>>
      %dma_wait3A_366 = arith.constant 0 : i32
      %dma_wait3A_367 = tpu.memref_slice %arg5[%dma_wait3A_359, %dma_wait3A_360, %dma_wait3A_366] : memref<4x4x128xi32, #tpu.memory_space<vmem>> -> memref<1x1x128xi32, #tpu.memory_space<vmem>>
      %dma_wait3A_368 = tpu.memref_squeeze %dma_wait3A_367 : memref<1x1x128xi32, #tpu.memory_space<vmem>> -> memref<128xi32, #tpu.memory_space<vmem>>
      %dma_wait3A_369 = arith.constant 0 : i32
      %dma_wait3A_370 = arith.constant 0 : i32
      %dma_wait3A_371 = tpu.memref_slice %arg3[%dma_wait3A_369, %dma_wait3A_370] : memref<100000x64xf32, #tpu.memory_space<hbm>> -> memref<100000x64xf32, #tpu.memory_space<hbm>>
      tpu.wait_indirect_dma semaphore(%arg7 : memref<!tpu.dma_semaphore, #tpu.memory_space<semaphore_mem>>) src(%dma_wait3A_371 : memref<100000x64xf32, #tpu.memory_space<hbm>>) dst(%dma_wait3A_365 : memref<128x64xf32, #tpu.memory_space<vmem>>)
      %mul3A_372 = arith.constant 512 : i32
      %mul3A_373 = arith.muli %add3A_312, %mul3A_372 : i32
      %add3A_374 = arith.addi %mul3A_8, %mul3A_373 : i32
      %dma_start3A_375 = arith.constant 0 : i32
      %dma_start3A_376 = arith.constant 0 : i32
      %dma_start3A_377 = arith.constant 0 : i32
      %dma_start3A_378 = tpu.memref_slice %arg6[%dma_start3A_375, %dma_start3A_376, %dma_start3A_377] : memref<2x512x64xf32, #tpu.memory_space<vmem>> -> memref<1x512x64xf32, #tpu.memory_space<vmem>>
      %dma_start3A_379 = tpu.memref_squeeze %dma_start3A_378 : memref<1x512x64xf32, #tpu.memory_space<vmem>> -> memref<512x64xf32, #tpu.memory_space<vmem>>
      %dma_start3A_380 = arith.constant 0 : i32
      %dma_start3A_381 = tpu.memref_slice %arg4[%add3A_374, %dma_start3A_380] : memref<3276800x64xf32, #tpu.memory_space<hbm>> -> memref<512x64xf32, #tpu.memory_space<hbm>>
      %dma_start3A_382 = arith.constant 0 : i32
      %dma_start3A_383 = tpu.memref_slice %arg4[%add3A_374, %dma_start3A_382] : memref<3276800x64xf32, #tpu.memory_space<hbm>> -> memref<512x64xf32, #tpu.memory_space<hbm>>
      %dma_start3A_384 = arith.constant 0 : i32
      %dma_start3A_385 = arith.constant 0 : i32
      %dma_start3A_386 = tpu.memref_slice %arg6[%dma_start3A_375, %dma_start3A_384, %dma_start3A_385] : memref<2x512x64xf32, #tpu.memory_space<vmem>> -> memref<1x512x64xf32, #tpu.memory_space<vmem>>
      %dma_start3A_387 = tpu.memref_squeeze %dma_start3A_386 : memref<1x512x64xf32, #tpu.memory_space<vmem>> -> memref<512x64xf32, #tpu.memory_space<vmem>>
      tpu.enqueue_dma source(%dma_start3A_387 : memref<512x64xf32, #tpu.memory_space<vmem>>) target(%dma_start3A_383 : memref<512x64xf32, #tpu.memory_space<hbm>>) target_semaphore(%arg9 : memref<!tpu.dma_semaphore, #tpu.memory_space<semaphore_mem>>)
      %add3A_388 = arith.constant 1 : i32
      %add3A_389 = arith.addi %add3A_312, %add3A_388 : i32
      %lt3A_390 = arith.constant 200 : i32
      %lt3A_391 = arith.cmpi slt, %add3A_389, %lt3A_390 : i32
      %convert_element_type3A_392 = arith.extui %lt3A_391 : i1 to i32
      %cond3A_393 = arith.constant 0 : i32
      %cond3A_394 = arith.cmpi ne, %convert_element_type3A_392, %cond3A_393 : i32
      scf.if %cond3A_394 {
        %gt3A = arith.constant 0 : i32
        %gt3A_481 = arith.cmpi sgt, %add3A_312, %gt3A : i32
        %convert_element_type3A_482 = arith.extui %gt3A_481 : i1 to i32
        %cond3A_483 = arith.constant 0 : i32
        %cond3A_484 = arith.cmpi ne, %convert_element_type3A_482, %cond3A_483 : i32
        scf.if %cond3A_484 {
          %sub3A = arith.constant 1 : i32
          %sub3A_555 = arith.subi %add3A_312, %sub3A : i32
          %mul3A_556 = arith.constant 512 : i32
          %mul3A_557 = arith.muli %sub3A_555, %mul3A_556 : i32
          %add3A_558 = arith.addi %mul3A_8, %mul3A_557 : i32
          %dma_wait3A_559 = arith.constant 1 : i32
          %dma_wait3A_560 = arith.constant 0 : i32
          %dma_wait3A_561 = arith.constant 0 : i32
          %dma_wait3A_562 = tpu.memref_slice %arg6[%dma_wait3A_559, %dma_wait3A_560, %dma_wait3A_561] : memref<2x512x64xf32, #tpu.memory_space<vmem>> -> memref<1x512x64xf32, #tpu.memory_space<vmem>>
          %dma_wait3A_563 = tpu.memref_squeeze %dma_wait3A_562 : memref<1x512x64xf32, #tpu.memory_space<vmem>> -> memref<512x64xf32, #tpu.memory_space<vmem>>
          %dma_wait3A_564 = arith.constant 0 : i32
          %dma_wait3A_565 = tpu.memref_slice %arg4[%add3A_558, %dma_wait3A_564] : memref<3276800x64xf32, #tpu.memory_space<hbm>> -> memref<512x64xf32, #tpu.memory_space<hbm>>
          %dma_wait3A_566 = arith.constant 0 : i32
          %dma_wait3A_567 = tpu.memref_slice %arg4[%add3A_558, %dma_wait3A_566] : memref<3276800x64xf32, #tpu.memory_space<hbm>> -> memref<512x64xf32, #tpu.memory_space<hbm>>
          %dma_wait3A_568 = arith.constant 0 : i32
          %dma_wait3A_569 = arith.constant 0 : i32
          %dma_wait3A_570 = tpu.memref_slice %arg6[%dma_wait3A_559, %dma_wait3A_568, %dma_wait3A_569] : memref<2x512x64xf32, #tpu.memory_space<vmem>> -> memref<1x512x64xf32, #tpu.memory_space<vmem>>
          %dma_wait3A_571 = tpu.memref_squeeze %dma_wait3A_570 : memref<1x512x64xf32, #tpu.memory_space<vmem>> -> memref<512x64xf32, #tpu.memory_space<vmem>>
          tpu.wait_dma2 semaphore(%arg10 : memref<!tpu.dma_semaphore, #tpu.memory_space<semaphore_mem>>) src(%dma_wait3A_571 : memref<512x64xf32, #tpu.memory_space<vmem>>) dst(%dma_wait3A_567 : memref<512x64xf32, #tpu.memory_space<hbm>>)
        } else {
        }
        %add3A_485 = arith.constant 1 : i32
        %add3A_486 = arith.addi %add3A_312, %add3A_485 : i32
        %mul3A_487 = arith.constant 4 : i32
        %mul3A_488 = arith.muli %add3A_486, %mul3A_487 : i32
        %add3A_489 = arith.addi %mul3A_4, %mul3A_488 : i32
        %dma_wait3A_490 = arith.constant 3 : i32
        %dma_wait3A_491 = arith.constant 0 : i32
        %dma_wait3A_492 = arith.constant 0 : i32
        %dma_wait3A_493 = tpu.memref_slice %arg5[%dma_wait3A_490, %dma_wait3A_491, %dma_wait3A_492] : memref<4x4x128xi32, #tpu.memory_space<vmem>> -> memref<1x4x128xi32, #tpu.memory_space<vmem>>
        %dma_wait3A_494 = tpu.memref_squeeze %dma_wait3A_493 : memref<1x4x128xi32, #tpu.memory_space<vmem>> -> memref<4x128xi32, #tpu.memory_space<vmem>>
        %dma_wait3A_495 = arith.constant 0 : i32
        %dma_wait3A_496 = tpu.memref_slice %arg2[%add3A_489, %dma_wait3A_495] : memref<25600x128xi32, #tpu.memory_space<hbm>> -> memref<4x128xi32, #tpu.memory_space<hbm>>
        %dma_wait3A_497 = arith.constant 0 : i32
        %dma_wait3A_498 = arith.constant 0 : i32
        %dma_wait3A_499 = tpu.memref_slice %arg5[%dma_wait3A_490, %dma_wait3A_497, %dma_wait3A_498] : memref<4x4x128xi32, #tpu.memory_space<vmem>> -> memref<1x4x128xi32, #tpu.memory_space<vmem>>
        %dma_wait3A_500 = tpu.memref_squeeze %dma_wait3A_499 : memref<1x4x128xi32, #tpu.memory_space<vmem>> -> memref<4x128xi32, #tpu.memory_space<vmem>>
        %dma_wait3A_501 = arith.constant 0 : i32
        %dma_wait3A_502 = tpu.memref_slice %arg2[%add3A_489, %dma_wait3A_501] : memref<25600x128xi32, #tpu.memory_space<hbm>> -> memref<4x128xi32, #tpu.memory_space<hbm>>
        tpu.wait_dma2 semaphore(%arg14 : memref<!tpu.dma_semaphore, #tpu.memory_space<semaphore_mem>>) src(%dma_wait3A_502 : memref<4x128xi32, #tpu.memory_space<hbm>>) dst(%dma_wait3A_500 : memref<4x128xi32, #tpu.memory_space<vmem>>)
        %dma_start3A_503 = arith.constant 3 : i32
        %dma_start3A_504 = arith.constant 0 : i32
        %dma_start3A_505 = arith.constant 1 : i32
        %dma_start3A_506 = arith.constant 0 : i32
        %dma_start3A_507 = arith.constant 0 : i32
        %dma_start3A_508 = tpu.memref_slice %arg6[%dma_start3A_505, %dma_start3A_506, %dma_start3A_507] : memref<2x512x64xf32, #tpu.memory_space<vmem>> -> memref<1x128x64xf32, #tpu.memory_space<vmem>>
        %dma_start3A_509 = tpu.memref_squeeze %dma_start3A_508 : memref<1x128x64xf32, #tpu.memory_space<vmem>> -> memref<128x64xf32, #tpu.memory_space<vmem>>
        %dma_start3A_510 = arith.constant 0 : i32
        %dma_start3A_511 = tpu.memref_slice %arg5[%dma_start3A_503, %dma_start3A_504, %dma_start3A_510] : memref<4x4x128xi32, #tpu.memory_space<vmem>> -> memref<1x1x128xi32, #tpu.memory_space<vmem>>
        %dma_start3A_512 = tpu.memref_squeeze %dma_start3A_511 : memref<1x1x128xi32, #tpu.memory_space<vmem>> -> memref<128xi32, #tpu.memory_space<vmem>>
        %dma_start3A_513 = arith.constant 0 : i32
        %dma_start3A_514 = arith.constant 0 : i32
        %dma_start3A_515 = tpu.memref_slice %arg3[%dma_start3A_513, %dma_start3A_514] : memref<100000x64xf32, #tpu.memory_space<hbm>> -> memref<100000x64xf32, #tpu.memory_space<hbm>>
        tpu.enqueue_indirect_dma source(%dma_start3A_515 : memref<100000x64xf32, #tpu.memory_space<hbm>>) target(%dma_start3A_509 : memref<128x64xf32, #tpu.memory_space<vmem>>) offsets(%dma_start3A_512 : memref<128xi32, #tpu.memory_space<vmem>>) semaphore(%arg8 : memref<!tpu.dma_semaphore, #tpu.memory_space<semaphore_mem>>)
        %dma_start3A_516 = arith.constant 3 : i32
        %dma_start3A_517 = arith.constant 1 : i32
        %dma_start3A_518 = arith.constant 1 : i32
        %dma_start3A_519 = arith.constant 128 : i32
        %dma_start3A_520 = arith.constant 0 : i32
        %dma_start3A_521 = tpu.memref_slice %arg6[%dma_start3A_518, %dma_start3A_519, %dma_start3A_520] : memref<2x512x64xf32, #tpu.memory_space<vmem>> -> memref<1x128x64xf32, #tpu.memory_space<vmem>>
        %dma_start3A_522 = tpu.memref_squeeze %dma_start3A_521 : memref<1x128x64xf32, #tpu.memory_space<vmem>> -> memref<128x64xf32, #tpu.memory_space<vmem>>
        %dma_start3A_523 = arith.constant 0 : i32
        %dma_start3A_524 = tpu.memref_slice %arg5[%dma_start3A_516, %dma_start3A_517, %dma_start3A_523] : memref<4x4x128xi32, #tpu.memory_space<vmem>> -> memref<1x1x128xi32, #tpu.memory_space<vmem>>
        %dma_start3A_525 = tpu.memref_squeeze %dma_start3A_524 : memref<1x1x128xi32, #tpu.memory_space<vmem>> -> memref<128xi32, #tpu.memory_space<vmem>>
        %dma_start3A_526 = arith.constant 0 : i32
        %dma_start3A_527 = arith.constant 0 : i32
        %dma_start3A_528 = tpu.memref_slice %arg3[%dma_start3A_526, %dma_start3A_527] : memref<100000x64xf32, #tpu.memory_space<hbm>> -> memref<100000x64xf32, #tpu.memory_space<hbm>>
        tpu.enqueue_indirect_dma source(%dma_start3A_528 : memref<100000x64xf32, #tpu.memory_space<hbm>>) target(%dma_start3A_522 : memref<128x64xf32, #tpu.memory_space<vmem>>) offsets(%dma_start3A_525 : memref<128xi32, #tpu.memory_space<vmem>>) semaphore(%arg8 : memref<!tpu.dma_semaphore, #tpu.memory_space<semaphore_mem>>)
        %dma_start3A_529 = arith.constant 3 : i32
        %dma_start3A_530 = arith.constant 2 : i32
        %dma_start3A_531 = arith.constant 1 : i32
        %dma_start3A_532 = arith.constant 256 : i32
        %dma_start3A_533 = arith.constant 0 : i32
        %dma_start3A_534 = tpu.memref_slice %arg6[%dma_start3A_531, %dma_start3A_532, %dma_start3A_533] : memref<2x512x64xf32, #tpu.memory_space<vmem>> -> memref<1x128x64xf32, #tpu.memory_space<vmem>>
        %dma_start3A_535 = tpu.memref_squeeze %dma_start3A_534 : memref<1x128x64xf32, #tpu.memory_space<vmem>> -> memref<128x64xf32, #tpu.memory_space<vmem>>
        %dma_start3A_536 = arith.constant 0 : i32
        %dma_start3A_537 = tpu.memref_slice %arg5[%dma_start3A_529, %dma_start3A_530, %dma_start3A_536] : memref<4x4x128xi32, #tpu.memory_space<vmem>> -> memref<1x1x128xi32, #tpu.memory_space<vmem>>
        %dma_start3A_538 = tpu.memref_squeeze %dma_start3A_537 : memref<1x1x128xi32, #tpu.memory_space<vmem>> -> memref<128xi32, #tpu.memory_space<vmem>>
        %dma_start3A_539 = arith.constant 0 : i32
        %dma_start3A_540 = arith.constant 0 : i32
        %dma_start3A_541 = tpu.memref_slice %arg3[%dma_start3A_539, %dma_start3A_540] : memref<100000x64xf32, #tpu.memory_space<hbm>> -> memref<100000x64xf32, #tpu.memory_space<hbm>>
        tpu.enqueue_indirect_dma source(%dma_start3A_541 : memref<100000x64xf32, #tpu.memory_space<hbm>>) target(%dma_start3A_535 : memref<128x64xf32, #tpu.memory_space<vmem>>) offsets(%dma_start3A_538 : memref<128xi32, #tpu.memory_space<vmem>>) semaphore(%arg8 : memref<!tpu.dma_semaphore, #tpu.memory_space<semaphore_mem>>)
        %dma_start3A_542 = arith.constant 3 : i32
        %dma_start3A_543 = arith.constant 3 : i32
        %dma_start3A_544 = arith.constant 1 : i32
        %dma_start3A_545 = arith.constant 384 : i32
        %dma_start3A_546 = arith.constant 0 : i32
        %dma_start3A_547 = tpu.memref_slice %arg6[%dma_start3A_544, %dma_start3A_545, %dma_start3A_546] : memref<2x512x64xf32, #tpu.memory_space<vmem>> -> memref<1x128x64xf32, #tpu.memory_space<vmem>>
        %dma_start3A_548 = tpu.memref_squeeze %dma_start3A_547 : memref<1x128x64xf32, #tpu.memory_space<vmem>> -> memref<128x64xf32, #tpu.memory_space<vmem>>
        %dma_start3A_549 = arith.constant 0 : i32
        %dma_start3A_550 = tpu.memref_slice %arg5[%dma_start3A_542, %dma_start3A_543, %dma_start3A_549] : memref<4x4x128xi32, #tpu.memory_space<vmem>> -> memref<1x1x128xi32, #tpu.memory_space<vmem>>
        %dma_start3A_551 = tpu.memref_squeeze %dma_start3A_550 : memref<1x1x128xi32, #tpu.memory_space<vmem>> -> memref<128xi32, #tpu.memory_space<vmem>>
        %dma_start3A_552 = arith.constant 0 : i32
        %dma_start3A_553 = arith.constant 0 : i32
        %dma_start3A_554 = tpu.memref_slice %arg3[%dma_start3A_552, %dma_start3A_553] : memref<100000x64xf32, #tpu.memory_space<hbm>> -> memref<100000x64xf32, #tpu.memory_space<hbm>>
        tpu.enqueue_indirect_dma source(%dma_start3A_554 : memref<100000x64xf32, #tpu.memory_space<hbm>>) target(%dma_start3A_548 : memref<128x64xf32, #tpu.memory_space<vmem>>) offsets(%dma_start3A_551 : memref<128xi32, #tpu.memory_space<vmem>>) semaphore(%arg8 : memref<!tpu.dma_semaphore, #tpu.memory_space<semaphore_mem>>)
      } else {
      }
      %mul3A_395 = arith.constant 4 : i32
      %mul3A_396 = arith.muli %scan3A_139, %mul3A_395 : i32
      %add3A_397 = arith.constant 3 : i32
      %add3A_398 = arith.addi %mul3A_396, %add3A_397 : i32
      %add3A_399 = arith.constant 2 : i32
      %add3A_400 = arith.addi %add3A_398, %add3A_399 : i32
      %lt3A_401 = arith.constant 200 : i32
      %lt3A_402 = arith.cmpi slt, %add3A_400, %lt3A_401 : i32
      %convert_element_type3A_403 = arith.extui %lt3A_402 : i1 to i32
      %cond3A_404 = arith.constant 0 : i32
      %cond3A_405 = arith.cmpi ne, %convert_element_type3A_403, %cond3A_404 : i32
      scf.if %cond3A_405 {
        %add3A_481 = arith.constant 2 : i32
        %add3A_482 = arith.addi %add3A_398, %add3A_481 : i32
        %mul3A_483 = arith.constant 4 : i32
        %mul3A_484 = arith.muli %add3A_482, %mul3A_483 : i32
        %add3A_485 = arith.addi %mul3A_4, %mul3A_484 : i32
        %dma_start3A_486 = arith.constant 1 : i32
        %dma_start3A_487 = arith.constant 0 : i32
        %dma_start3A_488 = arith.constant 0 : i32
        %dma_start3A_489 = tpu.memref_slice %arg5[%dma_start3A_486, %dma_start3A_487, %dma_start3A_488] : memref<4x4x128xi32, #tpu.memory_space<vmem>> -> memref<1x4x128xi32, #tpu.memory_space<vmem>>
        %dma_start3A_490 = tpu.memref_squeeze %dma_start3A_489 : memref<1x4x128xi32, #tpu.memory_space<vmem>> -> memref<4x128xi32, #tpu.memory_space<vmem>>
        %dma_start3A_491 = arith.constant 0 : i32
        %dma_start3A_492 = tpu.memref_slice %arg2[%add3A_485, %dma_start3A_491] : memref<25600x128xi32, #tpu.memory_space<hbm>> -> memref<4x128xi32, #tpu.memory_space<hbm>>
        %dma_start3A_493 = arith.constant 0 : i32
        %dma_start3A_494 = arith.constant 0 : i32
        %dma_start3A_495 = tpu.memref_slice %arg5[%dma_start3A_486, %dma_start3A_493, %dma_start3A_494] : memref<4x4x128xi32, #tpu.memory_space<vmem>> -> memref<1x4x128xi32, #tpu.memory_space<vmem>>
        %dma_start3A_496 = tpu.memref_squeeze %dma_start3A_495 : memref<1x4x128xi32, #tpu.memory_space<vmem>> -> memref<4x128xi32, #tpu.memory_space<vmem>>
        %dma_start3A_497 = arith.constant 0 : i32
        %dma_start3A_498 = tpu.memref_slice %arg2[%add3A_485, %dma_start3A_497] : memref<25600x128xi32, #tpu.memory_space<hbm>> -> memref<4x128xi32, #tpu.memory_space<hbm>>
        tpu.enqueue_dma source(%dma_start3A_498 : memref<4x128xi32, #tpu.memory_space<hbm>>) target(%dma_start3A_496 : memref<4x128xi32, #tpu.memory_space<vmem>>) target_semaphore(%arg12 : memref<!tpu.dma_semaphore, #tpu.memory_space<semaphore_mem>>)
      } else {
      }
      %dma_wait3A_406 = arith.constant 3 : i32
      %dma_wait3A_407 = arith.constant 0 : i32
      %dma_wait3A_408 = arith.constant 1 : i32
      %dma_wait3A_409 = arith.constant 0 : i32
      %dma_wait3A_410 = arith.constant 0 : i32
      %dma_wait3A_411 = tpu.memref_slice %arg6[%dma_wait3A_408, %dma_wait3A_409, %dma_wait3A_410] : memref<2x512x64xf32, #tpu.memory_space<vmem>> -> memref<1x128x64xf32, #tpu.memory_space<vmem>>
      %dma_wait3A_412 = tpu.memref_squeeze %dma_wait3A_411 : memref<1x128x64xf32, #tpu.memory_space<vmem>> -> memref<128x64xf32, #tpu.memory_space<vmem>>
      %dma_wait3A_413 = arith.constant 0 : i32
      %dma_wait3A_414 = tpu.memref_slice %arg5[%dma_wait3A_406, %dma_wait3A_407, %dma_wait3A_413] : memref<4x4x128xi32, #tpu.memory_space<vmem>> -> memref<1x1x128xi32, #tpu.memory_space<vmem>>
      %dma_wait3A_415 = tpu.memref_squeeze %dma_wait3A_414 : memref<1x1x128xi32, #tpu.memory_space<vmem>> -> memref<128xi32, #tpu.memory_space<vmem>>
      %dma_wait3A_416 = arith.constant 0 : i32
      %dma_wait3A_417 = arith.constant 0 : i32
      %dma_wait3A_418 = tpu.memref_slice %arg3[%dma_wait3A_416, %dma_wait3A_417] : memref<100000x64xf32, #tpu.memory_space<hbm>> -> memref<100000x64xf32, #tpu.memory_space<hbm>>
      tpu.wait_indirect_dma semaphore(%arg8 : memref<!tpu.dma_semaphore, #tpu.memory_space<semaphore_mem>>) src(%dma_wait3A_418 : memref<100000x64xf32, #tpu.memory_space<hbm>>) dst(%dma_wait3A_412 : memref<128x64xf32, #tpu.memory_space<vmem>>)
      %dma_wait3A_419 = arith.constant 3 : i32
      %dma_wait3A_420 = arith.constant 1 : i32
      %dma_wait3A_421 = arith.constant 1 : i32
      %dma_wait3A_422 = arith.constant 128 : i32
      %dma_wait3A_423 = arith.constant 0 : i32
      %dma_wait3A_424 = tpu.memref_slice %arg6[%dma_wait3A_421, %dma_wait3A_422, %dma_wait3A_423] : memref<2x512x64xf32, #tpu.memory_space<vmem>> -> memref<1x128x64xf32, #tpu.memory_space<vmem>>
      %dma_wait3A_425 = tpu.memref_squeeze %dma_wait3A_424 : memref<1x128x64xf32, #tpu.memory_space<vmem>> -> memref<128x64xf32, #tpu.memory_space<vmem>>
      %dma_wait3A_426 = arith.constant 0 : i32
      %dma_wait3A_427 = tpu.memref_slice %arg5[%dma_wait3A_419, %dma_wait3A_420, %dma_wait3A_426] : memref<4x4x128xi32, #tpu.memory_space<vmem>> -> memref<1x1x128xi32, #tpu.memory_space<vmem>>
      %dma_wait3A_428 = tpu.memref_squeeze %dma_wait3A_427 : memref<1x1x128xi32, #tpu.memory_space<vmem>> -> memref<128xi32, #tpu.memory_space<vmem>>
      %dma_wait3A_429 = arith.constant 0 : i32
      %dma_wait3A_430 = arith.constant 0 : i32
      %dma_wait3A_431 = tpu.memref_slice %arg3[%dma_wait3A_429, %dma_wait3A_430] : memref<100000x64xf32, #tpu.memory_space<hbm>> -> memref<100000x64xf32, #tpu.memory_space<hbm>>
      tpu.wait_indirect_dma semaphore(%arg8 : memref<!tpu.dma_semaphore, #tpu.memory_space<semaphore_mem>>) src(%dma_wait3A_431 : memref<100000x64xf32, #tpu.memory_space<hbm>>) dst(%dma_wait3A_425 : memref<128x64xf32, #tpu.memory_space<vmem>>)
      %dma_wait3A_432 = arith.constant 3 : i32
      %dma_wait3A_433 = arith.constant 2 : i32
      %dma_wait3A_434 = arith.constant 1 : i32
      %dma_wait3A_435 = arith.constant 256 : i32
      %dma_wait3A_436 = arith.constant 0 : i32
      %dma_wait3A_437 = tpu.memref_slice %arg6[%dma_wait3A_434, %dma_wait3A_435, %dma_wait3A_436] : memref<2x512x64xf32, #tpu.memory_space<vmem>> -> memref<1x128x64xf32, #tpu.memory_space<vmem>>
      %dma_wait3A_438 = tpu.memref_squeeze %dma_wait3A_437 : memref<1x128x64xf32, #tpu.memory_space<vmem>> -> memref<128x64xf32, #tpu.memory_space<vmem>>
      %dma_wait3A_439 = arith.constant 0 : i32
      %dma_wait3A_440 = tpu.memref_slice %arg5[%dma_wait3A_432, %dma_wait3A_433, %dma_wait3A_439] : memref<4x4x128xi32, #tpu.memory_space<vmem>> -> memref<1x1x128xi32, #tpu.memory_space<vmem>>
      %dma_wait3A_441 = tpu.memref_squeeze %dma_wait3A_440 : memref<1x1x128xi32, #tpu.memory_space<vmem>> -> memref<128xi32, #tpu.memory_space<vmem>>
      %dma_wait3A_442 = arith.constant 0 : i32
      %dma_wait3A_443 = arith.constant 0 : i32
      %dma_wait3A_444 = tpu.memref_slice %arg3[%dma_wait3A_442, %dma_wait3A_443] : memref<100000x64xf32, #tpu.memory_space<hbm>> -> memref<100000x64xf32, #tpu.memory_space<hbm>>
      tpu.wait_indirect_dma semaphore(%arg8 : memref<!tpu.dma_semaphore, #tpu.memory_space<semaphore_mem>>) src(%dma_wait3A_444 : memref<100000x64xf32, #tpu.memory_space<hbm>>) dst(%dma_wait3A_438 : memref<128x64xf32, #tpu.memory_space<vmem>>)
      %dma_wait3A_445 = arith.constant 3 : i32
      %dma_wait3A_446 = arith.constant 3 : i32
      %dma_wait3A_447 = arith.constant 1 : i32
      %dma_wait3A_448 = arith.constant 384 : i32
      %dma_wait3A_449 = arith.constant 0 : i32
      %dma_wait3A_450 = tpu.memref_slice %arg6[%dma_wait3A_447, %dma_wait3A_448, %dma_wait3A_449] : memref<2x512x64xf32, #tpu.memory_space<vmem>> -> memref<1x128x64xf32, #tpu.memory_space<vmem>>
      %dma_wait3A_451 = tpu.memref_squeeze %dma_wait3A_450 : memref<1x128x64xf32, #tpu.memory_space<vmem>> -> memref<128x64xf32, #tpu.memory_space<vmem>>
      %dma_wait3A_452 = arith.constant 0 : i32
      %dma_wait3A_453 = tpu.memref_slice %arg5[%dma_wait3A_445, %dma_wait3A_446, %dma_wait3A_452] : memref<4x4x128xi32, #tpu.memory_space<vmem>> -> memref<1x1x128xi32, #tpu.memory_space<vmem>>
      %dma_wait3A_454 = tpu.memref_squeeze %dma_wait3A_453 : memref<1x1x128xi32, #tpu.memory_space<vmem>> -> memref<128xi32, #tpu.memory_space<vmem>>
      %dma_wait3A_455 = arith.constant 0 : i32
      %dma_wait3A_456 = arith.constant 0 : i32
      %dma_wait3A_457 = tpu.memref_slice %arg3[%dma_wait3A_455, %dma_wait3A_456] : memref<100000x64xf32, #tpu.memory_space<hbm>> -> memref<100000x64xf32, #tpu.memory_space<hbm>>
      tpu.wait_indirect_dma semaphore(%arg8 : memref<!tpu.dma_semaphore, #tpu.memory_space<semaphore_mem>>) src(%dma_wait3A_457 : memref<100000x64xf32, #tpu.memory_space<hbm>>) dst(%dma_wait3A_451 : memref<128x64xf32, #tpu.memory_space<vmem>>)
      %mul3A_458 = arith.constant 512 : i32
      %mul3A_459 = arith.muli %add3A_398, %mul3A_458 : i32
      %add3A_460 = arith.addi %mul3A_8, %mul3A_459 : i32
      %dma_start3A_461 = arith.constant 1 : i32
      %dma_start3A_462 = arith.constant 0 : i32
      %dma_start3A_463 = arith.constant 0 : i32
      %dma_start3A_464 = tpu.memref_slice %arg6[%dma_start3A_461, %dma_start3A_462, %dma_start3A_463] : memref<2x512x64xf32, #tpu.memory_space<vmem>> -> memref<1x512x64xf32, #tpu.memory_space<vmem>>
      %dma_start3A_465 = tpu.memref_squeeze %dma_start3A_464 : memref<1x512x64xf32, #tpu.memory_space<vmem>> -> memref<512x64xf32, #tpu.memory_space<vmem>>
      %dma_start3A_466 = arith.constant 0 : i32
      %dma_start3A_467 = tpu.memref_slice %arg4[%add3A_460, %dma_start3A_466] : memref<3276800x64xf32, #tpu.memory_space<hbm>> -> memref<512x64xf32, #tpu.memory_space<hbm>>
      %dma_start3A_468 = arith.constant 0 : i32
      %dma_start3A_469 = tpu.memref_slice %arg4[%add3A_460, %dma_start3A_468] : memref<3276800x64xf32, #tpu.memory_space<hbm>> -> memref<512x64xf32, #tpu.memory_space<hbm>>
      %dma_start3A_470 = arith.constant 0 : i32
      %dma_start3A_471 = arith.constant 0 : i32
      %dma_start3A_472 = tpu.memref_slice %arg6[%dma_start3A_461, %dma_start3A_470, %dma_start3A_471] : memref<2x512x64xf32, #tpu.memory_space<vmem>> -> memref<1x512x64xf32, #tpu.memory_space<vmem>>
      %dma_start3A_473 = tpu.memref_squeeze %dma_start3A_472 : memref<1x512x64xf32, #tpu.memory_space<vmem>> -> memref<512x64xf32, #tpu.memory_space<vmem>>
      tpu.enqueue_dma source(%dma_start3A_473 : memref<512x64xf32, #tpu.memory_space<vmem>>) target(%dma_start3A_469 : memref<512x64xf32, #tpu.memory_space<hbm>>) target_semaphore(%arg10 : memref<!tpu.dma_semaphore, #tpu.memory_space<semaphore_mem>>)
      %add3A_474 = arith.constant 1 : i32
      %add3A_475 = arith.addi %add3A_398, %add3A_474 : i32
      %lt3A_476 = arith.constant 200 : i32
      %lt3A_477 = arith.cmpi slt, %add3A_475, %lt3A_476 : i32
      %convert_element_type3A_478 = arith.extui %lt3A_477 : i1 to i32
      %cond3A_479 = arith.constant 0 : i32
      %cond3A_480 = arith.cmpi ne, %convert_element_type3A_478, %cond3A_479 : i32
      scf.if %cond3A_480 {
        %gt3A = arith.constant 0 : i32
        %gt3A_481 = arith.cmpi sgt, %add3A_398, %gt3A : i32
        %convert_element_type3A_482 = arith.extui %gt3A_481 : i1 to i32
        %cond3A_483 = arith.constant 0 : i32
        %cond3A_484 = arith.cmpi ne, %convert_element_type3A_482, %cond3A_483 : i32
        scf.if %cond3A_484 {
          %sub3A = arith.constant 1 : i32
          %sub3A_555 = arith.subi %add3A_398, %sub3A : i32
          %mul3A_556 = arith.constant 512 : i32
          %mul3A_557 = arith.muli %sub3A_555, %mul3A_556 : i32
          %add3A_558 = arith.addi %mul3A_8, %mul3A_557 : i32
          %dma_wait3A_559 = arith.constant 0 : i32
          %dma_wait3A_560 = arith.constant 0 : i32
          %dma_wait3A_561 = arith.constant 0 : i32
          %dma_wait3A_562 = tpu.memref_slice %arg6[%dma_wait3A_559, %dma_wait3A_560, %dma_wait3A_561] : memref<2x512x64xf32, #tpu.memory_space<vmem>> -> memref<1x512x64xf32, #tpu.memory_space<vmem>>
          %dma_wait3A_563 = tpu.memref_squeeze %dma_wait3A_562 : memref<1x512x64xf32, #tpu.memory_space<vmem>> -> memref<512x64xf32, #tpu.memory_space<vmem>>
          %dma_wait3A_564 = arith.constant 0 : i32
          %dma_wait3A_565 = tpu.memref_slice %arg4[%add3A_558, %dma_wait3A_564] : memref<3276800x64xf32, #tpu.memory_space<hbm>> -> memref<512x64xf32, #tpu.memory_space<hbm>>
          %dma_wait3A_566 = arith.constant 0 : i32
          %dma_wait3A_567 = tpu.memref_slice %arg4[%add3A_558, %dma_wait3A_566] : memref<3276800x64xf32, #tpu.memory_space<hbm>> -> memref<512x64xf32, #tpu.memory_space<hbm>>
          %dma_wait3A_568 = arith.constant 0 : i32
          %dma_wait3A_569 = arith.constant 0 : i32
          %dma_wait3A_570 = tpu.memref_slice %arg6[%dma_wait3A_559, %dma_wait3A_568, %dma_wait3A_569] : memref<2x512x64xf32, #tpu.memory_space<vmem>> -> memref<1x512x64xf32, #tpu.memory_space<vmem>>
          %dma_wait3A_571 = tpu.memref_squeeze %dma_wait3A_570 : memref<1x512x64xf32, #tpu.memory_space<vmem>> -> memref<512x64xf32, #tpu.memory_space<vmem>>
          tpu.wait_dma2 semaphore(%arg9 : memref<!tpu.dma_semaphore, #tpu.memory_space<semaphore_mem>>) src(%dma_wait3A_571 : memref<512x64xf32, #tpu.memory_space<vmem>>) dst(%dma_wait3A_567 : memref<512x64xf32, #tpu.memory_space<hbm>>)
        } else {
        }
        %add3A_485 = arith.constant 1 : i32
        %add3A_486 = arith.addi %add3A_398, %add3A_485 : i32
        %mul3A_487 = arith.constant 4 : i32
        %mul3A_488 = arith.muli %add3A_486, %mul3A_487 : i32
        %add3A_489 = arith.addi %mul3A_4, %mul3A_488 : i32
        %dma_wait3A_490 = arith.constant 0 : i32
        %dma_wait3A_491 = arith.constant 0 : i32
        %dma_wait3A_492 = arith.constant 0 : i32
        %dma_wait3A_493 = tpu.memref_slice %arg5[%dma_wait3A_490, %dma_wait3A_491, %dma_wait3A_492] : memref<4x4x128xi32, #tpu.memory_space<vmem>> -> memref<1x4x128xi32, #tpu.memory_space<vmem>>
        %dma_wait3A_494 = tpu.memref_squeeze %dma_wait3A_493 : memref<1x4x128xi32, #tpu.memory_space<vmem>> -> memref<4x128xi32, #tpu.memory_space<vmem>>
        %dma_wait3A_495 = arith.constant 0 : i32
        %dma_wait3A_496 = tpu.memref_slice %arg2[%add3A_489, %dma_wait3A_495] : memref<25600x128xi32, #tpu.memory_space<hbm>> -> memref<4x128xi32, #tpu.memory_space<hbm>>
        %dma_wait3A_497 = arith.constant 0 : i32
        %dma_wait3A_498 = arith.constant 0 : i32
        %dma_wait3A_499 = tpu.memref_slice %arg5[%dma_wait3A_490, %dma_wait3A_497, %dma_wait3A_498] : memref<4x4x128xi32, #tpu.memory_space<vmem>> -> memref<1x4x128xi32, #tpu.memory_space<vmem>>
        %dma_wait3A_500 = tpu.memref_squeeze %dma_wait3A_499 : memref<1x4x128xi32, #tpu.memory_space<vmem>> -> memref<4x128xi32, #tpu.memory_space<vmem>>
        %dma_wait3A_501 = arith.constant 0 : i32
        %dma_wait3A_502 = tpu.memref_slice %arg2[%add3A_489, %dma_wait3A_501] : memref<25600x128xi32, #tpu.memory_space<hbm>> -> memref<4x128xi32, #tpu.memory_space<hbm>>
        tpu.wait_dma2 semaphore(%arg11 : memref<!tpu.dma_semaphore, #tpu.memory_space<semaphore_mem>>) src(%dma_wait3A_502 : memref<4x128xi32, #tpu.memory_space<hbm>>) dst(%dma_wait3A_500 : memref<4x128xi32, #tpu.memory_space<vmem>>)
        %dma_start3A_503 = arith.constant 0 : i32
        %dma_start3A_504 = arith.constant 0 : i32
        %dma_start3A_505 = arith.constant 0 : i32
        %dma_start3A_506 = arith.constant 0 : i32
        %dma_start3A_507 = arith.constant 0 : i32
        %dma_start3A_508 = tpu.memref_slice %arg6[%dma_start3A_505, %dma_start3A_506, %dma_start3A_507] : memref<2x512x64xf32, #tpu.memory_space<vmem>> -> memref<1x128x64xf32, #tpu.memory_space<vmem>>
        %dma_start3A_509 = tpu.memref_squeeze %dma_start3A_508 : memref<1x128x64xf32, #tpu.memory_space<vmem>> -> memref<128x64xf32, #tpu.memory_space<vmem>>
        %dma_start3A_510 = arith.constant 0 : i32
        %dma_start3A_511 = tpu.memref_slice %arg5[%dma_start3A_503, %dma_start3A_504, %dma_start3A_510] : memref<4x4x128xi32, #tpu.memory_space<vmem>> -> memref<1x1x128xi32, #tpu.memory_space<vmem>>
        %dma_start3A_512 = tpu.memref_squeeze %dma_start3A_511 : memref<1x1x128xi32, #tpu.memory_space<vmem>> -> memref<128xi32, #tpu.memory_space<vmem>>
        %dma_start3A_513 = arith.constant 0 : i32
        %dma_start3A_514 = arith.constant 0 : i32
        %dma_start3A_515 = tpu.memref_slice %arg3[%dma_start3A_513, %dma_start3A_514] : memref<100000x64xf32, #tpu.memory_space<hbm>> -> memref<100000x64xf32, #tpu.memory_space<hbm>>
        tpu.enqueue_indirect_dma source(%dma_start3A_515 : memref<100000x64xf32, #tpu.memory_space<hbm>>) target(%dma_start3A_509 : memref<128x64xf32, #tpu.memory_space<vmem>>) offsets(%dma_start3A_512 : memref<128xi32, #tpu.memory_space<vmem>>) semaphore(%arg7 : memref<!tpu.dma_semaphore, #tpu.memory_space<semaphore_mem>>)
        %dma_start3A_516 = arith.constant 0 : i32
        %dma_start3A_517 = arith.constant 1 : i32
        %dma_start3A_518 = arith.constant 0 : i32
        %dma_start3A_519 = arith.constant 128 : i32
        %dma_start3A_520 = arith.constant 0 : i32
        %dma_start3A_521 = tpu.memref_slice %arg6[%dma_start3A_518, %dma_start3A_519, %dma_start3A_520] : memref<2x512x64xf32, #tpu.memory_space<vmem>> -> memref<1x128x64xf32, #tpu.memory_space<vmem>>
        %dma_start3A_522 = tpu.memref_squeeze %dma_start3A_521 : memref<1x128x64xf32, #tpu.memory_space<vmem>> -> memref<128x64xf32, #tpu.memory_space<vmem>>
        %dma_start3A_523 = arith.constant 0 : i32
        %dma_start3A_524 = tpu.memref_slice %arg5[%dma_start3A_516, %dma_start3A_517, %dma_start3A_523] : memref<4x4x128xi32, #tpu.memory_space<vmem>> -> memref<1x1x128xi32, #tpu.memory_space<vmem>>
        %dma_start3A_525 = tpu.memref_squeeze %dma_start3A_524 : memref<1x1x128xi32, #tpu.memory_space<vmem>> -> memref<128xi32, #tpu.memory_space<vmem>>
        %dma_start3A_526 = arith.constant 0 : i32
        %dma_start3A_527 = arith.constant 0 : i32
        %dma_start3A_528 = tpu.memref_slice %arg3[%dma_start3A_526, %dma_start3A_527] : memref<100000x64xf32, #tpu.memory_space<hbm>> -> memref<100000x64xf32, #tpu.memory_space<hbm>>
        tpu.enqueue_indirect_dma source(%dma_start3A_528 : memref<100000x64xf32, #tpu.memory_space<hbm>>) target(%dma_start3A_522 : memref<128x64xf32, #tpu.memory_space<vmem>>) offsets(%dma_start3A_525 : memref<128xi32, #tpu.memory_space<vmem>>) semaphore(%arg7 : memref<!tpu.dma_semaphore, #tpu.memory_space<semaphore_mem>>)
        %dma_start3A_529 = arith.constant 0 : i32
        %dma_start3A_530 = arith.constant 2 : i32
        %dma_start3A_531 = arith.constant 0 : i32
        %dma_start3A_532 = arith.constant 256 : i32
        %dma_start3A_533 = arith.constant 0 : i32
        %dma_start3A_534 = tpu.memref_slice %arg6[%dma_start3A_531, %dma_start3A_532, %dma_start3A_533] : memref<2x512x64xf32, #tpu.memory_space<vmem>> -> memref<1x128x64xf32, #tpu.memory_space<vmem>>
        %dma_start3A_535 = tpu.memref_squeeze %dma_start3A_534 : memref<1x128x64xf32, #tpu.memory_space<vmem>> -> memref<128x64xf32, #tpu.memory_space<vmem>>
        %dma_start3A_536 = arith.constant 0 : i32
        %dma_start3A_537 = tpu.memref_slice %arg5[%dma_start3A_529, %dma_start3A_530, %dma_start3A_536] : memref<4x4x128xi32, #tpu.memory_space<vmem>> -> memref<1x1x128xi32, #tpu.memory_space<vmem>>
        %dma_start3A_538 = tpu.memref_squeeze %dma_start3A_537 : memref<1x1x128xi32, #tpu.memory_space<vmem>> -> memref<128xi32, #tpu.memory_space<vmem>>
        %dma_start3A_539 = arith.constant 0 : i32
        %dma_start3A_540 = arith.constant 0 : i32
        %dma_start3A_541 = tpu.memref_slice %arg3[%dma_start3A_539, %dma_start3A_540] : memref<100000x64xf32, #tpu.memory_space<hbm>> -> memref<100000x64xf32, #tpu.memory_space<hbm>>
        tpu.enqueue_indirect_dma source(%dma_start3A_541 : memref<100000x64xf32, #tpu.memory_space<hbm>>) target(%dma_start3A_535 : memref<128x64xf32, #tpu.memory_space<vmem>>) offsets(%dma_start3A_538 : memref<128xi32, #tpu.memory_space<vmem>>) semaphore(%arg7 : memref<!tpu.dma_semaphore, #tpu.memory_space<semaphore_mem>>)
        %dma_start3A_542 = arith.constant 0 : i32
        %dma_start3A_543 = arith.constant 3 : i32
        %dma_start3A_544 = arith.constant 0 : i32
        %dma_start3A_545 = arith.constant 384 : i32
        %dma_start3A_546 = arith.constant 0 : i32
        %dma_start3A_547 = tpu.memref_slice %arg6[%dma_start3A_544, %dma_start3A_545, %dma_start3A_546] : memref<2x512x64xf32, #tpu.memory_space<vmem>> -> memref<1x128x64xf32, #tpu.memory_space<vmem>>
        %dma_start3A_548 = tpu.memref_squeeze %dma_start3A_547 : memref<1x128x64xf32, #tpu.memory_space<vmem>> -> memref<128x64xf32, #tpu.memory_space<vmem>>
        %dma_start3A_549 = arith.constant 0 : i32
        %dma_start3A_550 = tpu.memref_slice %arg5[%dma_start3A_542, %dma_start3A_543, %dma_start3A_549] : memref<4x4x128xi32, #tpu.memory_space<vmem>> -> memref<1x1x128xi32, #tpu.memory_space<vmem>>
        %dma_start3A_551 = tpu.memref_squeeze %dma_start3A_550 : memref<1x1x128xi32, #tpu.memory_space<vmem>> -> memref<128xi32, #tpu.memory_space<vmem>>
        %dma_start3A_552 = arith.constant 0 : i32
        %dma_start3A_553 = arith.constant 0 : i32
        %dma_start3A_554 = tpu.memref_slice %arg3[%dma_start3A_552, %dma_start3A_553] : memref<100000x64xf32, #tpu.memory_space<hbm>> -> memref<100000x64xf32, #tpu.memory_space<hbm>>
        tpu.enqueue_indirect_dma source(%dma_start3A_554 : memref<100000x64xf32, #tpu.memory_space<hbm>>) target(%dma_start3A_548 : memref<128x64xf32, #tpu.memory_space<vmem>>) offsets(%dma_start3A_551 : memref<128xi32, #tpu.memory_space<vmem>>) semaphore(%arg7 : memref<!tpu.dma_semaphore, #tpu.memory_space<semaphore_mem>>)
      } else {
      }
    }
    %scan3A_108 = arith.constant 50 : i32
    %add3A_109 = arith.constant 101376 : i32
    %add3A_110 = arith.addi %mul3A_8, %add3A_109 : i32
    %dma_wait3A_111 = arith.constant 0 : i32
    %dma_wait3A_112 = arith.constant 0 : i32
    %dma_wait3A_113 = arith.constant 0 : i32
    %dma_wait3A_114 = tpu.memref_slice %arg6[%dma_wait3A_111, %dma_wait3A_112, %dma_wait3A_113] : memref<2x512x64xf32, #tpu.memory_space<vmem>> -> memref<1x512x64xf32, #tpu.memory_space<vmem>>
    %dma_wait3A_115 = tpu.memref_squeeze %dma_wait3A_114 : memref<1x512x64xf32, #tpu.memory_space<vmem>> -> memref<512x64xf32, #tpu.memory_space<vmem>>
    %dma_wait3A_116 = arith.constant 0 : i32
    %dma_wait3A_117 = tpu.memref_slice %arg4[%add3A_110, %dma_wait3A_116] : memref<3276800x64xf32, #tpu.memory_space<hbm>> -> memref<512x64xf32, #tpu.memory_space<hbm>>
    %dma_wait3A_118 = arith.constant 0 : i32
    %dma_wait3A_119 = tpu.memref_slice %arg4[%add3A_110, %dma_wait3A_118] : memref<3276800x64xf32, #tpu.memory_space<hbm>> -> memref<512x64xf32, #tpu.memory_space<hbm>>
    %dma_wait3A_120 = arith.constant 0 : i32
    %dma_wait3A_121 = arith.constant 0 : i32
    %dma_wait3A_122 = tpu.memref_slice %arg6[%dma_wait3A_111, %dma_wait3A_120, %dma_wait3A_121] : memref<2x512x64xf32, #tpu.memory_space<vmem>> -> memref<1x512x64xf32, #tpu.memory_space<vmem>>
    %dma_wait3A_123 = tpu.memref_squeeze %dma_wait3A_122 : memref<1x512x64xf32, #tpu.memory_space<vmem>> -> memref<512x64xf32, #tpu.memory_space<vmem>>
    tpu.wait_dma2 semaphore(%arg9 : memref<!tpu.dma_semaphore, #tpu.memory_space<semaphore_mem>>) src(%dma_wait3A_123 : memref<512x64xf32, #tpu.memory_space<vmem>>) dst(%dma_wait3A_119 : memref<512x64xf32, #tpu.memory_space<hbm>>)
    %add3A_124 = arith.constant 101888 : i32
    %add3A_125 = arith.addi %mul3A_8, %add3A_124 : i32
    %dma_wait3A_126 = arith.constant 1 : i32
    %dma_wait3A_127 = arith.constant 0 : i32
    %dma_wait3A_128 = arith.constant 0 : i32
    %dma_wait3A_129 = tpu.memref_slice %arg6[%dma_wait3A_126, %dma_wait3A_127, %dma_wait3A_128] : memref<2x512x64xf32, #tpu.memory_space<vmem>> -> memref<1x512x64xf32, #tpu.memory_space<vmem>>
    %dma_wait3A_130 = tpu.memref_squeeze %dma_wait3A_129 : memref<1x512x64xf32, #tpu.memory_space<vmem>> -> memref<512x64xf32, #tpu.memory_space<vmem>>
    %dma_wait3A_131 = arith.constant 0 : i32
    %dma_wait3A_132 = tpu.memref_slice %arg4[%add3A_125, %dma_wait3A_131] : memref<3276800x64xf32, #tpu.memory_space<hbm>> -> memref<512x64xf32, #tpu.memory_space<hbm>>
    %dma_wait3A_133 = arith.constant 0 : i32
    %dma_wait3A_134 = tpu.memref_slice %arg4[%add3A_125, %dma_wait3A_133] : memref<3276800x64xf32, #tpu.memory_space<hbm>> -> memref<512x64xf32, #tpu.memory_space<hbm>>
    %dma_wait3A_135 = arith.constant 0 : i32
    %dma_wait3A_136 = arith.constant 0 : i32
    %dma_wait3A_137 = tpu.memref_slice %arg6[%dma_wait3A_126, %dma_wait3A_135, %dma_wait3A_136] : memref<2x512x64xf32, #tpu.memory_space<vmem>> -> memref<1x512x64xf32, #tpu.memory_space<vmem>>
    %dma_wait3A_138 = tpu.memref_squeeze %dma_wait3A_137 : memref<1x512x64xf32, #tpu.memory_space<vmem>> -> memref<512x64xf32, #tpu.memory_space<vmem>>
    tpu.wait_dma2 semaphore(%arg10 : memref<!tpu.dma_semaphore, #tpu.memory_space<semaphore_mem>>) src(%dma_wait3A_138 : memref<512x64xf32, #tpu.memory_space<vmem>>) dst(%dma_wait3A_134 : memref<512x64xf32, #tpu.memory_space<hbm>>)
    return
  }
}

</mosaic_0001>

<sc_bundles>
// kernel: kernel.3.cloned.1.call-start
scs
__scs_entry_jumppad:
0x0: {  	(pc) =	sbr.rel $0x88, $3  }
0x1: {  	(tag) =	ssettag $0x0;
	lr =	simm.s32 $0x1  }
0x2: {  	[smem:$0x3F9F] =	sst lr;
	_ =	strace $0xD0000000  }
0x3: {  	_ = 	snop  }
0x4: {  	_ = 	snop  }
0x5: {  	_ = 	snop  }
0x6: {  	_ = 	snop  }
0x7: {  	_ = 	snop  }
__scs_overlays_trampoline_lowered:
0x8: {  	[smem:$0x3FAE] =	sst s0  }
0x9: {  	[smem:$0x3FAF] =	sst s1  }
0xa: {  	[smem:$0x3FB0] =	sst s2  }
0xb: {  	[smem:$0x3FB1] =	sst s3  }
0xc: {  	[smem:$0x3FB2] =	sst s4  }
0xd: {  	[smem:$0x3FB3] =	sst s5  }
0xe: {  	[smem:$0x3FB4] =	sst s6  }
0xf: {  	[smem:$0x3FB5] =	sst s7  }
0x10: {  	[smem:$0x3FB6] =	sst s8  }
0x11: {  	[smem:$0x3FB7] =	sst s9;
	s0 =	simm.s32 @!p0 $0x0  }
0x12: {  	s1 =	sld [smem:$0x3F9D];
	s0 =	simm.s32 @p0 $0x1  }
0x13: {  	[smem:$0x3FB8] =	sst s0;
	s0 =	simm.s32 @!p1 $0x0  }
0x14: {  	s2 =	sld [smem:$0x3F9C];
	s0 =	simm.s32 @p1 $0x1  }
0x15: {  	[smem:$0x3FB9] =	sst s0;
	s0 =	simm.s32 @!p2 $0x0  }
0x16: {  	s3 =	sld [smem:$0x3FDB];
	s0 =	simm.s32 @p2 $0x1  }
0x17: {  	s4 =	simm.s32 $0x1BF5;
	[smem:$0x3FBB] =	sst s0  }
0x18: {  	s0 =	sld [smem:$0x3F9E];
	_ =	swait.ge [sflag:s4], $0x0  }
0x19: {  	s7 =	sld [smem:$0x3F9F]  }
0x1a: {  	s8 =	sadd.s32 $0xFFFFE003, lr  }
0x1b: {  	s9 =	sadd.s32 $0xFFFFFEF7, lr;
	s5 =	simm.s32 $0xFFFFFFFF;
	p2 =	slt.u32 s8, $0xFFFFF086  }
0x1c: {  	p1 =	slt.u32 s9, $0xF7A;
	s5 =	simm.s32 @!p2 $0x0  }
0x1d: {  	s5 =	simm.s32 @p1 $0x1;
	p0 =	seq.s32 s7, s2  }
0x1e: {  	s7 =	smul.u32 @!p0 $0xF7A, s2;
	p2 =	seq.s32 @!p0 s5, $0x0  }
0x1f: {  	s9 =	smul.u32 $0xF7A, s1;
	s8 =	simm.s32 @!p0 $0x1BF5;
	p2 =	por !p2, p0  }
0x20: {  	[sflag:s8] =	ssyncset.s32 @!p0 $0xFFFFF086;
	s6 =	sadd.s32 @!p0 s3, s7;
	s7 =	simm.s32 @!p0 $0x108  }
0x21: {  	s3 =	sadd.s32 s3, s9;
	s6 =	sadd.s32 @!p0 $0x88, s6;
	s7 =	simm.s32 @p2 $0x1082  }
0x22: {  	[simem:s7], [sflag:s8] =	dma.local @!p0 [hbm:s6], $0xF7A  }
0x23: {  	s9 =	sor.u32 $0xD0000000, s2;
	s6 =	simm.s32 $0x108;
	_ =	swait.ge @!p0 [sflag:s8], $0x0  }
0x24: {  	s3 =	sadd.s32 $0x88, s3;
	s6 =	simm.s32 @!p1 $0x1082;
	[sflag:s4] =	ssyncset.s32 $0xFFFFF086  }
0x25: {  	[simem:s6], [sflag:s4] =	dma.local [hbm:s3], $0xF7A  }
0x26: {  	[smem:$0x3F9F] =	sst s1;
	(tag) =	ssettag s2;
	_ =	strace s9  }
0x27: {  	s1 =	sld [smem:$0x3FAF]  }
0x28: {  	s2 =	sld [smem:$0x3FB0]  }
0x29: {  	s4 =	sld [smem:$0x3FB2]  }
0x2a: {  	p0 =	seq.s32 s5, $0x0;
	s5 =	sld [smem:$0x3FB3]  }
0x2b: {  	s6 =	sld [smem:$0x3FB4]  }
0x2c: {  	s7 =	sld [smem:$0x3FB5]  }
0x2d: {  	s3 =	simm.s32 $0x108;
	s8 =	sld [smem:$0x3FB6]  }
0x2e: {  	s3 =	simm.s32 @!p0 $0x1082;
	s9 =	sld [smem:$0x3FB7]  }
0x2f: {  	lr =	sadd.s32 s0, s3;
	s0 =	sld [smem:$0x3FAE]  }
0x30: {  	s3 =	sld [smem:$0x3FB1]  }
0x31: {  	[smem:$0x3FBA] =	sst s10  }
0x32: {  	s10 =	sld [smem:$0x3FB8];
	_ =	sdelay $0x3  }
0x33: {  	p0 =	seq.s32 s10, $0x1;
	s10 =	sld [smem:$0x3FBA];
	_ =	sdelay $0x3  }
0x34: {  	[smem:$0x3FBA] =	sst s10  }
0x35: {  	s10 =	sld [smem:$0x3FB9];
	_ =	sdelay $0x3  }
0x36: {  	p1 =	seq.s32 s10, $0x1;
	s10 =	sld [smem:$0x3FBA];
	_ =	sdelay $0x3  }
0x37: {  	[smem:$0x3FBA] =	sst s10  }
0x38: {  	s10 =	sld [smem:$0x3FBB]  }
0x39: {  	_ = 	snop;
	(pc) =	sbr.ind lr, $3  }
0x3a: {  	_ = 	snop  }
0x3b: {  	_ = 	snop  }
0x3c: {  	p2 =	seq.s32 s10, $0x1;
	s10 =	sld [smem:$0x3FBA]  }
0x3d: {  	_ =	shalt  }
0x3e: {  	_ =	shalt  }
0x3f: {  	_ =	shalt  }
0x40: {  	_ =	shalt  }
0x41: {  	_ =	shalt  }
0x42: {  	_ =	shalt  }
0x43: {  	_ =	shalt  }
0x44: {  	_ =	shalt  }
0x45: {  	_ =	shalt  }
0x46: {  	_ =	shalt  }
0x47: {  	_ =	shalt  }
0x48: {  	_ =	shalt  }
0x49: {  	_ =	shalt  }
0x4a: {  	_ =	shalt  }
0x4b: {  	_ =	shalt  }
0x4c: {  	_ =	shalt  }
0x4d: {  	_ =	shalt  }
0x4e: {  	_ =	shalt  }
0x4f: {  	_ =	shalt  }
0x50: {  	_ =	shalt  }
0x51: {  	_ =	shalt  }
0x52: {  	_ =	shalt  }
0x53: {  	_ =	shalt  }
0x54: {  	_ =	shalt  }
0x55: {  	_ =	shalt  }
0x56: {  	_ =	shalt  }
0x57: {  	_ =	shalt  }
0x58: {  	_ =	shalt  }
0x59: {  	_ =	shalt  }
0x5a: {  	_ =	shalt  }
0x5b: {  	_ =	shalt  }
0x5c: {  	_ =	shalt  }
0x5d: {  	_ =	shalt  }
0x5e: {  	_ =	shalt  }
0x5f: {  	_ =	shalt  }
0x60: {  	_ =	shalt  }
0x61: {  	_ =	shalt  }
0x62: {  	_ =	shalt  }
0x63: {  	_ =	shalt  }
0x64: {  	_ =	shalt  }
0x65: {  	_ =	shalt  }
0x66: {  	_ =	shalt  }
0x67: {  	_ =	shalt  }
0x68: {  	_ =	shalt  }
0x69: {  	_ =	shalt  }
0x6a: {  	_ =	shalt  }
0x6b: {  	_ =	shalt  }
0x6c: {  	_ =	shalt  }
0x6d: {  	_ =	shalt  }
0x6e: {  	_ =	shalt  }
0x6f: {  	_ =	shalt  }
0x70: {  	_ =	shalt  }
0x71: {  	_ =	shalt  }
0x72: {  	_ =	shalt  }
0x73: {  	_ =	shalt  }
0x74: {  	_ =	shalt  }
0x75: {  	_ =	shalt  }
0x76: {  	_ =	shalt  }
0x77: {  	_ =	shalt  }
0x78: {  	_ =	shalt  }
0x79: {  	_ =	shalt  }
0x7a: {  	_ =	shalt  }
0x7b: {  	_ =	shalt  }
0x7c: {  	_ =	shalt  }
0x7d: {  	_ =	shalt  }
0x7e: {  	_ =	shalt  }
0x7f: {  	_ =	shalt  }
0x80: {  	_ =	shalt  }
0x81: {  	_ =	shalt  }
0x82: {  	_ =	shalt  }
0x83: {  	_ =	shalt  }
0x84: {  	_ =	shalt  }
0x85: {  	_ =	shalt  }
0x86: {  	_ =	shalt  }
0x87: {  	_ =	shalt  }
.Lfunc_end0:
.L_simem_size_0:
called_computation.1_lowered:
.L_overlay_start_0:
0x88: {  	s2 =	sld [smem:$0x3FD9]  }
0x89: {  	s3 =	sld [smem:$0x3FFE];
	_ =	sdelay $0x1  }
0x8a: {  	s1 =	srdreg.scid  }
0x8b: {  	s0 =	sand.u32 $0x1, s1  }
0x8c: {  	s17 =	sshll.u32 s0, $0xA;
	s2 =	sadd.s32 s3, s2  }
0x8d: {  	s2 =	sadd.s32 s2, s17  }
0x8e: {  	[smem:$0x3FC6] =	sst s2  }
0x8f: {  	_ = 	snop  }
0x90: {  	s2 =	sld [smem:$0x3FD0];
	(tm) =	ssettm $0x1  }
0x91: {  	s18 =	sld [smem:$0x3FFB];
	_ =	sdelay $0x3  }
0x92: {  	_ =	strace s18  }
0x93: {  	s3 =	sld [smem:$0x3FFC];
	_ =	sdelay $0x3  }
0x94: {  	_ =	strace s3  }
0x95: {  	s3 =	sld [smem:$0x3FFD];
	_ =	sdelay $0x3  }
0x96: {  	_ =	strace s3  }
0x97: {  	_ =	strace $0x8FFFFFFF  }
0x98: {  	s19 =	sld [smem:$0x3FDB];
	_ =	sdelay $0x1  }
0x99: {  	s4 =	simm.s32 $_scs_section_size  }
0x9a: {  	s5 =	simm.s32 $_size__tile_overlayer_lowered;
	s6 =	simm.s32 $_tile_overlayer_lowered  }
0x9b: {  	s22 =	simm.s32 $0x1BFF;
	s21 =	sshll.u32 s6, $0x1;
	s3 =	sadd.s32 s4, s19  }
0x9c: {  	s7 =	simm.s32 $0x0;
	s20 =	sshll.u32 s5, $0x1;
	s5 =	sadd.s32 s21, s3  }
0x9d: {  	[timem:s7], [sflag:s22] =	dma.local [hbm:s5], s20  }
0x9e: {  	_ =	swait.ge [sflag:s22], s20  }
0x9f: {  	s4 =	ssub.s32 $0x0, s20;
	[sflag:s22] =	ssyncset.done $0x0  }
0xa0: {  	[sflag:s22] =	ssyncadd.s32 s4;
	_ =	sdelay $0x1  }
0xa1: {  	s23 =	simm.s32 $0x1B8B  }
0xa2: {  	_ =	swait.ge [sflag:s23], $0x1  }
0xa3: {  	[sflag:s23] =	ssyncset.done $0x0  }
0xa4: {  	s25 =	simm.s32 $0x1B8E;
	s24 =	sld [smem:$0x3FFE];
	[sflag:s23] =	ssyncadd.s32 $0xFFFFFFFF  }
0xa5: {  	s26 =	simm.s32 $execute0_lowered;
	[smem:$0x3FD2] =	sst s25  }
0xa6: {  	s5 =	sshll.u32 s26, $0x1;
	_ =	strace $0x80000046;
	[dreg:$0x1] =	wrdreg $0xFFFFFFFF  }
0xa7: {  	s28 =	simm.s32 $_size_execute0_lowered;
	s3 =	sadd.s32 s3, s5;
	[dreg:$0x0] =	wrdreg $0x0  }
0xa8: {  	s5 =	sshll.u32 s28, $0x1;
	[dreg:$0x2] =	wrdreg s3  }
0xa9: {  	[dreg:$0x3] =	wrdreg s5  }
0xaa: {  	[dreg:$0x4] =	wrdreg $0xC0  }
0xab: {  	_ =	task [dreg:s7], $0x5FFFF  }
0xac: {  	[dreg:$0x1] =	wrdreg $0xFFFFFFFF  }
0xad: {  	[dreg:$0x0] =	wrdreg $0x60  }
0xae: {  	[dreg:$0x2] =	wrdreg s24  }
0xaf: {  	[dreg:$0x3] =	wrdreg s2  }
0xb0: {  	[dreg:$0x4] =	wrdreg $0x9  }
0xb1: {  	_ =	task.clear_ibuf [dreg:s7], $0x5FFFF;
	_ =	strace $0x90000046  }
0xb2: {  	s29 =	simm.s32 $0x9;
	_ =	strace $0x80000048  }
0xb3: {  	_ =	swait.ge [sflag:s29], $0x1  }
0xb4: {  	[sflag:s29] =	ssyncadd.s32 $0xFFFFFFFF  }
0xb5: {  	_ =	strace $0x90000048  }
0xb6: {  	_ =	sfence  }
0xb7: {  	s30 =	sld [smem:$0x0];
	_ =	sdelay $0x2  }
0xb8: {  	s31 =	sshll.u32 s1, $0xD;
	s1 =	sshrl.u32 s1, $0x2  }
0xb9: {  	s3 =	sand.u32 $0x4000, s31;
	s1 =	sadd.s32 s1, s30  }
0xba: {  	s0 =	sor.u32 s3, s0;
	s1 =	sshll.u32 s1, $0x11  }
0xbb: {  	s0 =	sor.u32 s1, s0  }
0xbc: {  	s0 =	sadd.s32 $0x8F2B, s0  }
0xbd: {  	[sflag:s0] =	ssyncadd.remote.s32 $0x1  }
0xbe: {  	_ =	sfence.sel $0xFFFF  }
0xbf: {  	[dreg:$0x0] =	wrdreg $0xFFFFFFFF;
	(pc) =	sbr.abs _section_cstart, $3  }
0xc0: {  	[dreg:$0x1] =	wrdreg $0xFFFFFFFF  }
0xc1: {  	_ =	task.clear_ibuf [dreg:s7], $0x2FFFF;
	_ =	strace $0x9FFFFFFF  }
0xc2: {  	(tm) =	ssettm $0x7FFFFFFF  }
0xc3: {  	_ =	shalt  }
tec
execute0_lowered:
.L_overlay_start_1:
0x0: {  	(tag) =	ssettag $0x1  }
0x1: {  	s0 =	rddreg [dreg:$0x0]  }
0x2: {  	s1 =	rddreg [dreg:$0x1];
	s3 =	srdreg.scid  }
0x3: {  	s10 =	stileid.u32;
	s2 =	simm.s32 $0x0;
	s28 =	simm.s32 $0x8800  }
0x4: {  	s30 =	simm.s32 $0xA800;
	s4 =	sand.u32 $0x1, s3;
	s8 =	smul.u32 $0x32000, s10  }
0x5: {  	s13 =	sshll.u32 s10, $0x1;
	[smem:$0x7FF] =	sst s2;
	s16 =	smul.u32 $0xC80000, s10  }
0x6: {  	s6 =	sadd.s32 $0x800, s0;
	s10 =	simm.s32 $0x7;
	s9 =	smul.u32 $0x19000, s4  }
0x7: {  	s3 =	sor.u32 s4, s13;
	s7 =	ssub.s32 $0x2, s4;
	s4 =	smul.u32 $0x640000, s4  }
0x8: {  	_ =	strace $0x80000047;
	s5 =	smul.u32 $0x3200, s3;
	s14 =	sshrl.u32 s7, $0x1  }
0x9: {  	s3 =	sadd.s32 $0x64800, s0;
	s0 =	ssub.s32 s7, s14;
	s9 =	sadd.s32 s9, s8  }
0xa: {  	s4 =	sadd.s32 s4, s16;
	s16 =	simm.s32 $0x5;
	s15 =	sadd.s32 s6, s5  }
0xb: {  	s0 =	smax.u32 s0, $0x1;
	s17 =	sor.u32 $0xA00, s9;
	s18 =	sor.u32 $0x800, s9  }
0xc: {  	s21 =	sor.u32 $0x8000, s4;
	s5 =	sshrl.u32 s4, $0x3;
	s22 =	sor.u32 $0x18000, s4  }
0xd: {  	s25 =	sor.u32 $0x600, s9;
	s4 =	sor.u32 $0x10000, s4;
	s26 =	sor.u32 $0x400, s9  }
0xe: {  	s9 =	simm.s32 $0x3;
	[dreg:$0x3] =	wrdreg s15;
	s7 =	sadd.s32 $0x40, s15  }
0xf: {  	[dreg:$0x5] =	wrdreg s0;
	s0 =	sshrl.u32 s17, $0x3;
	s19 =	sshrl.u32 s18, $0x3  }
0x10: {  	s23 =	sadd.s32 s5, s1;
	s24 =	sshrl.u32 s22, $0x3;
	s4 =	sshrl.u32 s4, $0x3  }
0x11: {  	s31 =	sshrl.u32 s26, $0x3;
	s17 =	simm.s32 $0x80;
	s18 =	simm.s32 $0x800  }
0x12: {  	s26 =	simm.s32 $0x6;
	s5 =	simm.s32 $0xE800;
	s15 =	simm.s32 $0x4  }
0x13: {  	s22 =	simm.s32 $0x8;
	[dreg:$0x4] =	wrdreg s7;
	s0 =	sadd.s32 s0, s6  }
0x14: {  	s20 =	sadd.s32 s19, s6;
	[dreg:$0x9] =	wrdreg s23;
	s29 =	sadd.s32 s4, s1  }
0x15: {  	s14 =	sadd.s32 s31, s6;
	s19 =	simm.s32 $0x2800;
	s23 =	simm.s32 $0x6800  }
0x16: {  	s4 =	simm.s32 $0x2;
	s7 =	simm.s32 $0x0;
	[dreg:$0x6] =	wrdreg s0  }
.Ltmp0:
0x17: {  	[dreg:$0x7] =	wrdreg s20;
	s0 =	sshrl.u32 s21, $0x3;
	(pc) =	sbr.rel .LBB2_1-.Ltmp0, $4  }
0x18: {  	[dreg:$0xb] =	wrdreg s29;
	s21 =	simm.s32 $0x4800;
	s0 =	sadd.s32 s0, s1  }
0x19: {  	[dreg:$0x8] =	wrdreg s0;
	s0 =	sadd.s32 s24, s1;
	s24 =	simm.s32 $0x400  }
0x1a: {  	[dreg:$0xa] =	wrdreg s0;
	s0 =	sshrl.u32 s25, $0x3;
	s25 =	simm.s32 $0x1  }
0x1b: {  	s12 =	sadd.s32 s0, s6;
	s0 =	simm.s32 $0xC800;
	s6 =	simm.s32 $0x600  }
.LBB2_4:
0x1c: {  	_ =	swait.ge [sflag:s15], $0x8000  }
0x1d: {  	s7 =	rddreg [dreg:$0xc]  }
0x1e: {  	s1 =	rddreg [dreg:$0x5];
	s7 =	sadd.s32 $0x1, s7  }
0x1f: {  	p0 =	sne.s32 s7, s1  }
.Ltmp1:
0x20: {  	_ = 	snop;
	(pc) =	sbr.rel @!p0 .LBB2_5-.Ltmp1, $3  }
0x21: {  	_ =	sdelay $0x1  }
0x22: {  	[sflag:s15] =	ssyncset.done $0x0  }
0x23: {  	[sflag:s15] =	ssyncadd.s32 $0xFFFF8000  }
.LBB2_1:
0x24: {  	[dreg:$0xc] =	wrdreg s7  }
0x25: {  	s1 =	rddreg [dreg:$0x3]  }
0x26: {  	[tilespmem:s2], [sflag:$0x5] =	stream.linear.gather [hbm4b:s1+s2], $0x200, $0x38;
	[tilespmem:$0x10800] =	vst v63  }
0x27: {  	s8 =	rddreg [dreg:$0x4];
	s11 =	simm.s32 $0x200  }
0x28: {  	[tilespmem:s11], [sflag:$0x6] =	stream.linear.gather [hbm4b:s8+s2], $0x200, $0x38;
	[tilespmem:$0x10800] =	vst v63  }
0x29: {  	_ =	swait.ge [sflag:s16], $0x200  }
0x2a: {  	[sflag:s16] =	ssyncset.done $0x0  }
0x2b: {  	[sflag:s16] =	ssyncadd.s32 $0xFFFFFE00  }
0x2c: {  	[tilespmem:s18], [sflag:$0x1] =	stream.indirect.gather [hbm4b:s3+s17], $0x40, s2, s17, $0xb8;
	[tilespmem:$0x10800] =	vst v63  }
0x2d: {  	s11 =	rddreg [dreg:$0xb]  }
0x2e: {  	[tilespmem:s19], [sflag:$0x1] =	stream.indirect.gather [hbm4b:s3+s17], $0x40, s17, s17, $0xb8;
	[tilespmem:$0x10800] =	vst v63  }
0x2f: {  	s13 =	simm.s32 $0x100;
	s29 =	rddreg [dreg:$0x8]  }
0x30: {  	[tilespmem:s21], [sflag:$0x1] =	stream.indirect.gather [hbm4b:s3+s17], $0x40, s13, s17, $0xb8;
	[tilespmem:$0x10800] =	vst v63  }
0x31: {  	s20 =	simm.s32 $0x180;
	s13 =	rddreg [dreg:$0xa]  }
0x32: {  	[tilespmem:s23], [sflag:$0x1] =	stream.indirect.gather [hbm4b:s3+s17], $0x40, s20, s17, $0xb8;
	[tilespmem:$0x10800] =	vst v63  }
0x33: {  	s31 =	simm.s32 $0x0;
	s20 =	rddreg [dreg:$0x9]  }
.LBB2_2:
0x34: {  	s1 =	sadd.s32 s31, s14  }
0x35: {  	[tilespmem:s24], [sflag:$0x7] =	stream.linear.gather [hbm4b:s1+s2], $0x200, $0x38;
	[tilespmem:$0x10800] =	vst v63  }
0x36: {  	_ =	swait.ge [sflag:s25], $0x2000  }
0x37: {  	[sflag:s25] =	ssyncset.done $0x0  }
0x38: {  	[sflag:s25] =	ssyncadd.s32 $0xFFFFE000  }
0x39: {  	_ =	swait.ge [sflag:s25], $0x2000  }
0x3a: {  	[sflag:s25] =	ssyncset.done $0x0  }
0x3b: {  	[sflag:s25] =	ssyncadd.s32 $0xFFFFE000  }
0x3c: {  	_ =	swait.ge [sflag:s25], $0x2000  }
0x3d: {  	[sflag:s25] =	ssyncset.done $0x0  }
0x3e: {  	[sflag:s25] =	ssyncadd.s32 $0xFFFFE000  }
0x3f: {  	_ =	swait.ge [sflag:s25], $0x2000  }
0x40: {  	p0 =	seq.s32 s31, $0x0;
	[sflag:s25] =	ssyncset.done $0x0  }
0x41: {  	s1 =	simm.s32 @!p0 $0x4;
	[sflag:s25] =	ssyncadd.s32 $0xFFFFE000  }
0x42: {  	[hbm4b:s20+s2] =	stream.linear.scatter [tilespmem:s18], [sflag:$0x3], $0x8000, $0x38;
	[tilespmem:$0x10800] =	vst v63  }
0x43: {  	_ =	swait.ge @!p0 [sflag:s1], $0x8000  }
0x44: {  	[sflag:s1] =	ssyncset.done @!p0 $0x0  }
0x45: {  	[sflag:s1] =	ssyncadd.s32 @!p0 $0xFFFF8000  }
0x46: {  	_ =	swait.ge [sflag:s26], $0x200  }
0x47: {  	[sflag:s26] =	ssyncset.done $0x0  }
0x48: {  	s8 =	simm.s32 $0x200;
	[sflag:s26] =	ssyncadd.s32 $0xFFFFFE00  }
0x49: {  	[tilespmem:s28], [sflag:$0x2] =	stream.indirect.gather [hbm4b:s3+s17], $0x40, s8, s17, $0xb8;
	[tilespmem:$0x10800] =	vst v63  }
0x4a: {  	s7 =	simm.s32 $0x280  }
0x4b: {  	[tilespmem:s30], [sflag:$0x2] =	stream.indirect.gather [hbm4b:s3+s17], $0x40, s7, s17, $0xb8;
	[tilespmem:$0x10800] =	vst v63  }
0x4c: {  	s8 =	simm.s32 $0x300  }
0x4d: {  	[tilespmem:s0], [sflag:$0x2] =	stream.indirect.gather [hbm4b:s3+s17], $0x40, s8, s17, $0xb8;
	[tilespmem:$0x10800] =	vst v63  }
0x4e: {  	s7 =	simm.s32 $0x380  }
0x4f: {  	[tilespmem:s5], [sflag:$0x2] =	stream.indirect.gather [hbm4b:s3+s17], $0x40, s7, s17, $0xb8;
	[tilespmem:$0x10800] =	vst v63  }
0x50: {  	s8 =	sadd.s32 s31, s12  }
0x51: {  	[tilespmem:s6], [sflag:$0x8] =	stream.linear.gather [hbm4b:s8+s2], $0x200, $0x38;
	[tilespmem:$0x10800] =	vst v63  }
0x52: {  	_ =	swait.ge [sflag:s4], $0x2000  }
0x53: {  	[sflag:s4] =	ssyncset.done $0x0  }
0x54: {  	[sflag:s4] =	ssyncadd.s32 $0xFFFFE000  }
0x55: {  	_ =	swait.ge [sflag:s4], $0x2000  }
0x56: {  	[sflag:s4] =	ssyncset.done $0x0  }
0x57: {  	[sflag:s4] =	ssyncadd.s32 $0xFFFFE000  }
0x58: {  	_ =	swait.ge [sflag:s4], $0x2000  }
0x59: {  	[sflag:s4] =	ssyncset.done $0x0  }
0x5a: {  	[sflag:s4] =	ssyncadd.s32 $0xFFFFE000  }
0x5b: {  	_ =	swait.ge [sflag:s4], $0x2000  }
0x5c: {  	[sflag:s4] =	ssyncset.done $0x0  }
0x5d: {  	[sflag:s4] =	ssyncadd.s32 $0xFFFFE000  }
0x5e: {  	[hbm4b:s29+s2] =	stream.linear.scatter [tilespmem:s28], [sflag:$0x4], $0x8000, $0x38;
	[tilespmem:$0x10800] =	vst v63  }
0x5f: {  	_ =	swait.ge [sflag:s9], $0x8000  }
0x60: {  	[sflag:s9] =	ssyncset.done $0x0  }
0x61: {  	[sflag:s9] =	ssyncadd.s32 $0xFFFF8000  }
0x62: {  	_ =	swait.ge [sflag:s10], $0x200  }
0x63: {  	[sflag:s10] =	ssyncset.done $0x0  }
0x64: {  	[sflag:s10] =	ssyncadd.s32 $0xFFFFFE00  }
0x65: {  	[tilespmem:s18], [sflag:$0x1] =	stream.indirect.gather [hbm4b:s3+s17], $0x40, s24, s17, $0xb8;
	[tilespmem:$0x10800] =	vst v63  }
0x66: {  	s7 =	simm.s32 $0x480  }
0x67: {  	[tilespmem:s19], [sflag:$0x1] =	stream.indirect.gather [hbm4b:s3+s17], $0x40, s7, s17, $0xb8;
	[tilespmem:$0x10800] =	vst v63  }
0x68: {  	s8 =	simm.s32 $0x500  }
0x69: {  	[tilespmem:s21], [sflag:$0x1] =	stream.indirect.gather [hbm4b:s3+s17], $0x40, s8, s17, $0xb8;
	[tilespmem:$0x10800] =	vst v63  }
0x6a: {  	p0 =	seq.s32 s31, $0x3100;
	s1 =	rddreg [dreg:$0x7];
	s7 =	simm.s32 $0x580  }
0x6b: {  	[tilespmem:s23], [sflag:$0x1] =	stream.indirect.gather [hbm4b:s3+s17], $0x40, s7, s17, $0xb8;
	[tilespmem:$0x10800] =	vst v63  }
0x6c: {  	s1 =	sadd.s32 @!p0 s31, s1;
	s7 =	simm.s32 @!p0 $0x0  }
0x6d: {  	[tilespmem:s7], [sflag:$0x5] =	stream.linear.gather @!p0 [hbm4b:s1+s7], $0x200, $0x38;
	[tilespmem:$0x10800] =	vst v63  }
0x6e: {  	_ =	swait.ge [sflag:s25], $0x2000  }
0x6f: {  	[sflag:s25] =	ssyncset.done $0x0  }
0x70: {  	[sflag:s25] =	ssyncadd.s32 $0xFFFFE000  }
0x71: {  	_ =	swait.ge [sflag:s25], $0x2000  }
0x72: {  	[sflag:s25] =	ssyncset.done $0x0  }
0x73: {  	[sflag:s25] =	ssyncadd.s32 $0xFFFFE000  }
0x74: {  	_ =	swait.ge [sflag:s25], $0x2000  }
0x75: {  	[sflag:s25] =	ssyncset.done $0x0  }
0x76: {  	[sflag:s25] =	ssyncadd.s32 $0xFFFFE000  }
0x77: {  	_ =	swait.ge [sflag:s25], $0x2000  }
0x78: {  	[sflag:s25] =	ssyncset.done $0x0  }
0x79: {  	[sflag:s25] =	ssyncadd.s32 $0xFFFFE000  }
0x7a: {  	[hbm4b:s11+s2] =	stream.linear.scatter [tilespmem:s18], [sflag:$0x3], $0x8000, $0x38;
	[tilespmem:$0x10800] =	vst v63  }
0x7b: {  	_ =	swait.ge [sflag:s15], $0x8000  }
0x7c: {  	[sflag:s15] =	ssyncset.done $0x0  }
0x7d: {  	[sflag:s15] =	ssyncadd.s32 $0xFFFF8000  }
0x7e: {  	_ =	swait.ge [sflag:s22], $0x200  }
0x7f: {  	[sflag:s22] =	ssyncset.done $0x0  }
0x80: {  	[sflag:s22] =	ssyncadd.s32 $0xFFFFFE00  }
0x81: {  	[tilespmem:s28], [sflag:$0x2] =	stream.indirect.gather [hbm4b:s3+s17], $0x40, s6, s17, $0xb8;
	[tilespmem:$0x10800] =	vst v63  }
0x82: {  	s8 =	simm.s32 $0x680  }
0x83: {  	[tilespmem:s30], [sflag:$0x2] =	stream.indirect.gather [hbm4b:s3+s17], $0x40, s8, s17, $0xb8;
	[tilespmem:$0x10800] =	vst v63  }
0x84: {  	s8 =	simm.s32 $0x700  }
0x85: {  	[tilespmem:s0], [sflag:$0x2] =	stream.indirect.gather [hbm4b:s3+s17], $0x40, s8, s17, $0xb8;
	[tilespmem:$0x10800] =	vst v63  }
0x86: {  	s1 =	rddreg [dreg:$0x6];
	s8 =	simm.s32 $0x780  }
0x87: {  	[tilespmem:s5], [sflag:$0x2] =	stream.indirect.gather [hbm4b:s3+s17], $0x40, s8, s17, $0xb8;
	[tilespmem:$0x10800] =	vst v63  }
0x88: {  	s1 =	sadd.s32 @!p0 s31, s1;
	s8 =	simm.s32 @!p0 $0x200  }
0x89: {  	[tilespmem:s8], [sflag:$0x6] =	stream.linear.gather @!p0 [hbm4b:s1+s7], $0x200, $0x38;
	[tilespmem:$0x10800] =	vst v63  }
0x8a: {  	_ =	swait.ge [sflag:s4], $0x2000  }
0x8b: {  	[sflag:s4] =	ssyncset.done $0x0  }
0x8c: {  	[sflag:s4] =	ssyncadd.s32 $0xFFFFE000  }
0x8d: {  	_ =	swait.ge [sflag:s4], $0x2000  }
0x8e: {  	[sflag:s4] =	ssyncset.done $0x0  }
0x8f: {  	[sflag:s4] =	ssyncadd.s32 $0xFFFFE000  }
0x90: {  	_ =	swait.ge [sflag:s4], $0x2000  }
0x91: {  	[sflag:s4] =	ssyncset.done $0x0  }
0x92: {  	[sflag:s4] =	ssyncadd.s32 $0xFFFFE000  }
0x93: {  	_ =	swait.ge [sflag:s4], $0x2000  }
0x94: {  	[sflag:s4] =	ssyncset.done $0x0  }
.Ltmp2:
0x95: {  	[sflag:s4] =	ssyncadd.s32 $0xFFFFE000;
	(pc) =	sbr.rel @p0 .LBB2_4-.Ltmp2, $4  }
0x96: {  	[hbm4b:s13+s2] =	stream.linear.scatter [tilespmem:s28], [sflag:$0x4], $0x8000, $0x38;
	[tilespmem:$0x10800] =	vst v63  }
0x97: {  	_ =	swait.ge [sflag:s9], $0x8000  }
0x98: {  	[sflag:s9] =	ssyncset.done $0x0  }
0x99: {  	[sflag:s9] =	ssyncadd.s32 $0xFFFF8000  }
0x9a: {  	_ =	swait.ge [sflag:s16], $0x200  }
0x9b: {  	[sflag:s16] =	ssyncset.done $0x0  }
0x9c: {  	[sflag:s16] =	ssyncadd.s32 $0xFFFFFE00  }
0x9d: {  	[tilespmem:s18], [sflag:$0x1] =	stream.indirect.gather [hbm4b:s3+s17], $0x40, s2, s17, $0xb8;
	[tilespmem:$0x10800] =	vst v63  }
0x9e: {  	_ = 	snop  }
0x9f: {  	[tilespmem:s19], [sflag:$0x1] =	stream.indirect.gather [hbm4b:s3+s17], $0x40, s17, s17, $0xb8;
	[tilespmem:$0x10800] =	vst v63  }
.Ltmp3:
0xa0: {  	s1 =	simm.s32 $0x100;
	(pc) =	sbr.rel .LBB2_2-.Ltmp3, $4  }
0xa1: {  	s8 =	simm.s32 $0x180;
	s31 =	sadd.s32 $0x100, s31;
	s29 =	sadd.s32 $0x4000, s29  }
0xa2: {  	[tilespmem:s21], [sflag:$0x1] =	stream.indirect.gather [hbm4b:s3+s17], $0x40, s1, s17, $0xb8;
	[tilespmem:$0x10800] =	vst v63  }
0xa3: {  	s20 =	sadd.s32 $0x4000, s20;
	s13 =	sadd.s32 $0x4000, s13;
	s11 =	sadd.s32 $0x4000, s11  }
0xa4: {  	[tilespmem:s23], [sflag:$0x1] =	stream.indirect.gather [hbm4b:s3+s17], $0x40, s8, s17, $0xb8;
	[tilespmem:$0x10800] =	vst v63  }
.LBB2_5:
0xa5: {  	_ =	sfence.sel $0x180000  }
0xa6: {  	[bflag:$0x0] =	sbarrier.arrive $0xFFFF  }
0xa7: {  	_ =	strace $0x90000047  }
0xa8: {  	s0 =	stileid.u32;
	[bflag:$0x2] =	sbarrier.arrive $0xFFFF  }
0xa9: {  	p0 =	sne.s32 s0, $0x0;
	s0 =	rddreg [dreg:$0x2]  }
0xaa: {  	s0 =	sadd.s32 @!p0 $0x100000, s0  }
0xab: {  	[sflag:s0] =	ssyncadd.tile.s32 @!p0 $0x1;
	_ =	shalt  }
.Lfunc_end2:
_tile_overlayer_lowered:
.L_overlay_start_2:
0xac: {  	(tag) =	ssettag $0x2  }
0xad: {  	s0 =	rddreg [dreg:$0x0];
	s2 =	stileid.u32  }
0xae: {  	s1 =	rddreg [dreg:$0x1];
	p0 =	sne.s32 s2, $0x0  }
0xaf: {  	s3 =	rddreg [dreg:$0x2];
	[bflag:$0x3] =	sbarrier.arrive $0xFFFF;
	s2 =	simm.s32 @!p0 $0x1C09  }
0xb0: {  	[timem:s3], [sflag:s2] =	dma.local @!p0 [hbm:s0], s1  }
0xb1: {  	s0 =	simm.s32 @!p0 $0x9  }
0xb2: {  	_ =	swait.ge @!p0 [sflag:s0], s1  }
0xb3: {  	s1 =	ssub.s32 @!p0 $0x0, s1;
	[sflag:s0] =	ssyncset.done @!p0 $0x0  }
0xb4: {  	[sflag:s0] =	ssyncadd.s32 @!p0 s1  }
0xb5: {  	[bflag:$0x3] =	sbarrier.arrive $0xFFFF  }
0xb6: {  	_ =	shalt  }

// kernel: sparse-core-data-format-call.cloned.1.call-start
scs
called_computation_lowered:
.L_overlay_start_0:
0x0: {  	s2 =	sld [smem:$0x3FD9]  }
0x1: {  	s3 =	sld [smem:$0x3FFE];
	_ =	sdelay $0x1  }
0x2: {  	s1 =	srdreg.scid  }
0x3: {  	s0 =	sand.u32 $0x1, s1  }
0x4: {  	s18 =	sshll.u32 s0, $0xA;
	s2 =	sadd.s32 s3, s2  }
0x5: {  	s2 =	sadd.s32 s2, s18  }
0x6: {  	[smem:$0x3FC6] =	sst s2  }
0x7: {  	_ = 	snop  }
0x8: {  	s2 =	sld [smem:$0x3FD0];
	(tm) =	ssettm $0x1  }
0x9: {  	s19 =	sld [smem:$0x3FFB];
	_ =	sdelay $0x3  }
0xa: {  	_ =	strace s19  }
0xb: {  	s3 =	sld [smem:$0x3FFC];
	_ =	sdelay $0x3  }
0xc: {  	_ =	strace s3  }
0xd: {  	s3 =	sld [smem:$0x3FFD];
	_ =	sdelay $0x3  }
0xe: {  	_ =	strace s3  }
0xf: {  	_ =	strace $0x8FFFFFFF  }
0x10: {  	s20 =	sld [smem:$0x3FDB];
	_ =	sdelay $0x1  }
0x11: {  	s4 =	simm.s32 $_scs_section_size  }
0x12: {  	s5 =	simm.s32 $_size__tile_overlayer_lowered;
	s6 =	simm.s32 $_tile_overlayer_lowered  }
0x13: {  	s23 =	simm.s32 $0x1BFF;
	s22 =	sshll.u32 s6, $0x1;
	s3 =	sadd.s32 s4, s20  }
0x14: {  	s7 =	simm.s32 $0x0;
	s21 =	sshll.u32 s5, $0x1;
	s5 =	sadd.s32 s22, s3  }
0x15: {  	[timem:s7], [sflag:s23] =	dma.local [hbm:s5], s21  }
0x16: {  	_ =	swait.ge [sflag:s23], s21  }
0x17: {  	s4 =	ssub.s32 $0x0, s21;
	[sflag:s23] =	ssyncset.done $0x0  }
0x18: {  	[sflag:s23] =	ssyncadd.s32 s4;
	_ =	sdelay $0x1  }
0x19: {  	s24 =	simm.s32 $0x1B8B  }
0x1a: {  	_ =	swait.ge [sflag:s24], $0x1  }
0x1b: {  	[sflag:s24] =	ssyncset.done $0x0  }
0x1c: {  	s26 =	simm.s32 $0x1B8E;
	s25 =	sld [smem:$0x3FFE];
	[sflag:s24] =	ssyncadd.s32 $0xFFFFFFFF  }
0x1d: {  	s27 =	simm.s32 $execute0_lowered;
	[smem:$0x3FD2] =	sst s26  }
0x1e: {  	s5 =	sshll.u32 s27, $0x1;
	_ =	strace $0x80000049;
	[dreg:$0x1] =	wrdreg $0xFFFFFFFF  }
0x1f: {  	s28 =	simm.s32 $_size_execute0_lowered;
	s3 =	sadd.s32 s3, s5;
	[dreg:$0x0] =	wrdreg $0x0  }
0x20: {  	s5 =	sshll.u32 s28, $0x1;
	[dreg:$0x2] =	wrdreg s3  }
0x21: {  	[dreg:$0x3] =	wrdreg s5  }
0x22: {  	[dreg:$0x4] =	wrdreg $0xC0  }
0x23: {  	_ =	task [dreg:s7], $0x5FFFF  }
0x24: {  	[dreg:$0x1] =	wrdreg $0xFFFFFFFF  }
0x25: {  	[dreg:$0x0] =	wrdreg $0x60  }
0x26: {  	[dreg:$0x2] =	wrdreg s25  }
0x27: {  	[dreg:$0x3] =	wrdreg s2  }
0x28: {  	[dreg:$0x4] =	wrdreg $0x9  }
0x29: {  	_ =	task.clear_ibuf [dreg:s7], $0x5FFFF;
	_ =	strace $0x90000049  }
0x2a: {  	s29 =	simm.s32 $0x9;
	_ =	strace $0x8000004B  }
0x2b: {  	_ =	swait.ge [sflag:s29], $0x1  }
0x2c: {  	[sflag:s29] =	ssyncadd.s32 $0xFFFFFFFF  }
0x2d: {  	_ =	strace $0x9000004B  }
0x2e: {  	_ =	sfence  }
0x2f: {  	s30 =	sld [smem:$0x0];
	_ =	sdelay $0x2  }
0x30: {  	s31 =	sshll.u32 s1, $0xD;
	s1 =	sshrl.u32 s1, $0x2  }
0x31: {  	s3 =	sand.u32 $0x4000, s31;
	s1 =	sadd.s32 s1, s30  }
0x32: {  	s0 =	sor.u32 s3, s0;
	s1 =	sshll.u32 s1, $0x11  }
0x33: {  	s0 =	sor.u32 s1, s0  }
0x34: {  	s0 =	sadd.s32 $0x8F2B, s0  }
0x35: {  	[sflag:s0] =	ssyncadd.remote.s32 $0x1  }
0x36: {  	_ =	sfence.sel $0xFFFF  }
0x37: {  	[dreg:$0x0] =	wrdreg $0xFFFFFFFF;
	(pc) =	sbr.abs _section_cstart, $3  }
0x38: {  	[dreg:$0x1] =	wrdreg $0xFFFFFFFF  }
0x39: {  	_ =	task.clear_ibuf [dreg:s7], $0x2FFFF;
	_ =	strace $0x9FFFFFFF  }
0x3a: {  	(tm) =	ssettm $0x7FFFFFFF  }
0x3b: {  	_ =	shalt  }
tec
execute0_lowered:
.L_overlay_start_1:
0x0: {  	(tag) =	ssettag $0x1  }
0x1: {  	s0 =	srdreg.scid  }
0x2: {  	s1 =	sshll.u32 s0, $0x4  }
0x3: {  	s0 =	stileid.u32;
	s1 =	sand.u32 $0x10, s1  }
0x4: {  	s1 =	sor.u32 s0, s1  }
0x5: {  	s6 =	rddreg [dreg:$0x0];
	s4 =	simm.s32 $0x1;
	s2 =	sshll.u32 s1, $0x7  }
0x6: {  	s7 =	simm.s32 $0x2;
	s12 =	simm.s32 $0x0;
	s1 =	ssub.s32 $0x4000, s2  }
0x7: {  	s8 =	simm.s32 $0x20000;
	s13 =	simm.s32 $0x0;
	s3 =	sand.u32 $0xF80, s1  }
0x8: {  	s9 =	simm.s32 $0x0;
	s5 =	sshrl.u32 s1, $0xC;
	p0 =	sne.s32 s3, $0x0  }
.Ltmp0:
0x9: {  	s1 =	rddreg [dreg:$0x2];
	s4 =	simm.s32 @!p0 $0x0;
	(pc) =	sbr.rel .LBB1_1-.Ltmp0, $4  }
0xa: {  	s11 =	simm.s32 $0x0;
	s3 =	rddreg [dreg:$0x1];
	s5 =	sadd.s32 s4, s5  }
0xb: {  	_ =	strace $0x8000004A;
	s4 =	simm.s32 $0x1;
	s5 =	smul.u32 $0xC8, s5  }
0xc: {  	s6 =	sadd.s32 $0x800, s6;
	s10 =	smov.u32 s2;
	[sflag:s4] =	ssyncpa.u1 $0x0  }
0xd: {  	p0 =	por $0x0, $0x0;
	[sflag:s7] =	ssyncpa.u1 $0x0;
	s7 =	sor.u32 $0x1, s5  }
.LBB1_4:
0xe: {  	s16 =	sshll.u32 s13, $0x3;
	s17 =	sand.u32 $0x78, s13  }
0xf: {  	s30 =	sand.u32 $0x1F800, s13;
	s12 =	sshll.u32 s12, $0x11;
	s16 =	sand.u32 $0x3C00, s16  }
0x10: {  	[tilespmem:s15+$0x810 ss:$0x81] =	vst.msk $0xffff, v2;
	s31 =	sand.u32 $0x7, s13;
	s16 =	sor.u32 s17, s16;
	s17 =	sadd.s32 s3, s30  }
0x11: {  	[tilespmem:s15+$0x1020 ss:$0x81] =	vst.msk $0xffff, v0;
	s13 =	sshll.u32 s31, $0x12;
	s12 =	sadd.s32 s12, s17;
	s16 =	sshrl.u32 s16, $0x3  }
0x12: {  	[tilespmem:s15+$0x0 ss:$0x81] =	vst.msk $0xffff, v1;
	s13 =	sor.u32 $0x400, s13;
	s12 =	sadd.s32 s16, s12  }
0x13: {  	[hbm4b:s12+s13] =	stream.strided.scatter [tilespmem:s14], [sflag:$0x2], $0x2000, s8, s13, $0x20;
	[tilespmem:$0x8080] =	vst v63  }
.LBB1_5:
0x14: {  	s14 =	sadd.s32 $0x1, s9  }
0x15: {  	s12 =	sadd.s32 $0x1000, s10;
	s16 =	smov.u32 s10;
	p2 =	sgt.s32 s14, $0xC7  }
0x16: {  	s16 =	smov.u32 @p2 s12  }
0x17: {  	s14 =	simm.s32 @p2 $0x0;
	p2 =	sgt.s32 s16, $0x3FFF  }
0x18: {  	s16 =	smov.u32 @p2 s2;
	p2 =	sne.s32 s11, s7  }
.Ltmp1:
0x19: {  	p1 =	slt.u32 s11, $0x2;
	(pc) =	sbr.rel @!p2 .LBB1_6-.Ltmp1, $4  }
0x1a: {  	s15 =	simm.s32 @!p1 $0x2  }
0x1b: {  	s13 =	smov.u32 s10;
	p0 =	por !p0, !p0;
	_ =	swait.ge @!p1 [sflag:s15], $0x2000  }
0x1c: {  	s12 =	smov.u32 s9;
	[sflag:s15] =	ssyncset.done @!p1 $0x0;
	s9 =	smov.u32 s14  }
0x1d: {  	s11 =	sadd.s32 $0x1, s11;
	[sflag:s15] =	ssyncadd.s32 @!p1 $0xFFFFE000;
	s10 =	smov.u32 s16  }
.LBB1_1:
0x1e: {  	p1 =	sge.u32 s11, s5  }
0x1f: {  	s14 =	sand.u32 @!p1 $0x1FFFFFF, s9  }
0x20: {  	s15 =	smulhi.u32 @!p1 $0x147AE15, s14;
	_ =	sdelay $0x1  }
0x21: {  	s15 =	smul.u32 @!p1 $0xC8, s15  }
0x22: {  	s16 =	sxor.u32 @!p1 $0xFFFFFFFF, s11;
	s17 =	smul.u32 @!p1 $0xC80, s10  }
0x23: {  	s31 =	sadd.s32 $0xFFFFFFFF, s11;
	s16 =	sshll.u32 @!p1 s16, $0xD;
	s14 =	ssub.s32 @!p1 s14, s15  }
0x24: {  	s15 =	sand.u32 @!p1 $0x2000, s16;
	s16 =	sadd.s32 @!p1 s6, s17;
	s14 =	sshll.u32 @!p1 s14, $0x4  }
0x25: {  	s17 =	simm.s32 @!p1 $0x6400;
	s14 =	sadd.s32 @!p1 s14, s16;
	s16 =	simm.s32 @!p1 $0x40  }
0x26: {  	[tilespmem:s15], [sflag:$0x1] =	stream.strided.gather @!p1 [hbm4b:s14+s16], $0x2000, s17, s16, $0x38;
	[tilespmem:$0x8080] =	vst v63  }
0x27: {  	p1 =	sge.u32 s31, s5  }
.Ltmp2:
0x28: {  	_ = 	snop;
	(pc) =	sbr.rel @p1 .LBB1_5-.Ltmp2, $1  }
0x29: {  	_ =	sdelay $0x3  }
0x2a: {  	s14 =	simm.s32 $0x1  }
0x2b: {  	_ =	swait.ge [sflag:s4], $0x2000;
	s14 =	simm.s32 @!p0 $0x0  }
0x2c: {  	[sflag:s4] =	ssyncset.done $0x0;
	s15 =	sshll.u32 s14, $0xD  }
0x2d: {  	[sflag:s4] =	ssyncadd.s32 $0xFFFFE000;
	s18 =	sor.u32 $0x20, s15  }
0x2e: {  	s14 =	smul.u32 $0x8100, s14;
	v3 =	vld [tilespmem:s18+$0x10]  }
0x2f: {  	s30 =	sand.u32 $0x1, s11;
	v2 =	vld [tilespmem:s18+$0xFFFFFFF0]  }
0x30: {  	s15 =	smul.u32 $0x8100, s30;
	s14 =	sshrl.u32 s14, $0x2;
	v0 =	vld [tilespmem:s18+$0x0]  }
0x31: {  	v1 =	vld [tilespmem:s18+$0xFFFFFFE0];
	s16 =	sor.u32 $0x4000, s14  }
0x32: {  	s31 =	sshrl.u32 s15, $0x2;
	s15 =	sadd.s32 $0x0, s16  }
0x33: {  	s17 =	simm.s32 $0x4;
	s18 =	sadd.s32 $0x40, s18;
	s14 =	sor.u32 $0x4000, s31;
	[tilespmem:s15+$0x1830 ss:$0x81] =	vst.msk $0xffff, v3  }
.LBB1_3:
0x34: {  	v3 =	vld [tilespmem:s18+$0x10];
	p1 =	sne.s32 s17, $0x1FC;
	[tilespmem:s15+$0x810 ss:$0x81] =	vst.msk $0xffff, v2;
	s19 =	smov.u32 s17;
	s17 =	sadd.s32 $0x4, s17  }
.Ltmp3:
0x35: {  	v2 =	vld [tilespmem:s18+$0xFFFFFFF0];
	[tilespmem:s15+$0x1020 ss:$0x81] =	vst.msk $0xffff, v0;
	(pc) =	sbr.rel @p1 .LBB1_3-.Ltmp3, $4  }
0x36: {  	v0 =	vld [tilespmem:s18+$0x0];
	[tilespmem:s15+$0x0 ss:$0x81] =	vst.msk $0xffff, v1  }
0x37: {  	s15 =	sshra.s32 s19, $0x2;
	v1 =	vld [tilespmem:s18+$0xFFFFFFE0]  }
0x38: {  	s15 =	sadd.s32 s15, s16  }
0x39: {  	s18 =	sadd.s32 $0x40, s18;
	[tilespmem:s15+$0x1830 ss:$0x81] =	vst.msk $0xffff, v3  }
.Ltmp4:
0x3a: {  	_ = 	snop;
	(pc) =	sbr.rel .LBB1_4-.Ltmp4, $1  }
0x3b: {  	_ =	sdelay $0x3  }
.LBB1_6:
0x3c: {  	_ =	sfence.sel $0x180000  }
0x3d: {  	s2 =	simm.s32 $0x1;
	[bflag:$0x0] =	sbarrier.arrive $0xFFFF  }
0x3e: {  	s31 =	simm.s32 $0x2;
	[sflag:s2] =	ssyncpa.u1 $0x1  }
0x3f: {  	[sflag:s31] =	ssyncpa.u1 $0x1  }
0x40: {  	p0 =	sne.s32 s0, $0x0;
	_ =	strace $0x9000004A  }
0x41: {  	s0 =	sadd.s32 @!p0 $0x100000, s1;
	[bflag:$0x2] =	sbarrier.arrive $0xFFFF  }
0x42: {  	[sflag:s0] =	ssyncadd.tile.s32 @!p0 $0x1;
	_ =	shalt  }
.Lfunc_end1:
_tile_overlayer_lowered:
.L_overlay_start_2:
0x43: {  	(tag) =	ssettag $0x2  }
0x44: {  	s0 =	rddreg [dreg:$0x0];
	s2 =	stileid.u32  }
0x45: {  	s1 =	rddreg [dreg:$0x1];
	p0 =	sne.s32 s2, $0x0  }
0x46: {  	s3 =	rddreg [dreg:$0x2];
	[bflag:$0x3] =	sbarrier.arrive $0xFFFF;
	s2 =	simm.s32 @!p0 $0x1C01  }
0x47: {  	[timem:s3], [sflag:s2] =	dma.local @!p0 [hbm:s0], s1  }
0x48: {  	s0 =	simm.s32 @!p0 $0x1  }
0x49: {  	_ =	swait.ge @!p0 [sflag:s0], s1  }
0x4a: {  	s1 =	ssub.s32 @!p0 $0x0, s1;
	[sflag:s0] =	ssyncset.done @!p0 $0x0  }
0x4b: {  	[sflag:s0] =	ssyncadd.s32 @!p0 s1  }
0x4c: {  	[bflag:$0x3] =	sbarrier.arrive $0xFFFF  }
0x4d: {  	_ =	shalt  }

</sc_bundles>
